<compile_context>
chip_gen: v7x
topology: tpu7x:2x2x1
jax: 0.10.2.dev20260603
libtpu: 0.0.44.dev20260713+nightly
codegen_flags: <defaults>
</compile_context>

<pallas_src>
import functools

import jax
import jax.numpy as jnp
from jax import lax
from jax.experimental import pallas as pl
from jax.experimental.pallas import tpu as pltpu
from jax.experimental.pallas import tpu_sc as plsc

CODE_DIM = 64
DIM = 256
IDX_CHUNK = 32
NBUF = 14


@functools.lru_cache(maxsize=None)
def _make_project(vocab: int):
    blk = 4096

    def mm(cbt_ref, w_ref, b_ref, out_ref):
        out_ref[...] = (
            lax.dot_general(
                cbt_ref[...],
                w_ref[...],
                (((0,), (0,)), ((), ())),
                preferred_element_type=jnp.float32,
            )
            + b_ref[...]
        )

    call = pl.pallas_call(
        mm,
        grid=(vocab // blk,),
        in_specs=[
            pl.BlockSpec((CODE_DIM, blk), lambda i: (0, i)),
            pl.BlockSpec((CODE_DIM, DIM), lambda i: (0, 0)),
            pl.BlockSpec((1, DIM), lambda i: (0, 0)),
        ],
        out_specs=pl.BlockSpec((blk, DIM), lambda i: (i, 0)),
        out_shape=jax.ShapeDtypeStruct((vocab, DIM), jnp.float32),
    )

    def run(codebook, W, bias):
        return call(codebook.T, W, bias.reshape(1, DIM))

    return run


@functools.lru_cache(maxsize=None)
def _make_gather(bsz: int, tlen: int):
    ntok = bsz * tlen
    info = plsc.get_sparse_core_info()
    nc = info.num_cores
    nw = nc * info.num_subcores
    per_w = ntok // nw
    nchunk = per_w // IDX_CHUNK
    wper_row = tlen // per_w
    mesh = plsc.VectorSubcoreMesh(core_axis_name="c", subcore_axis_name="s")

    @functools.partial(
        pl.kernel,
        mesh=mesh,
        out_type=jax.ShapeDtypeStruct((ntok, DIM), jnp.float32),
        scratch_types=[
            pltpu.VMEM((per_w,), jnp.int32),
            [pltpu.VMEM((IDX_CHUNK, DIM), jnp.float32)] * NBUF,
            [pltpu.SemaphoreType.DMA] * NBUF,
            [pltpu.SemaphoreType.DMA] * NBUF,
        ],
    )
    def gather_kernel(idx_hbm, proj_hbm, out_hbm, idx_v, bufs, gsems, ssems):
        wid = lax.axis_index("s") * nc + lax.axis_index("c")
        base = wid * per_w
        row = wid // wper_row
        col = (wid % wper_row) * per_w
        pltpu.sync_copy(idx_hbm.at[row, pl.ds(col, per_w)], idx_v)

        def gather(c):
            return pltpu.async_copy(
                proj_hbm.at[idx_v.at[pl.ds(c * IDX_CHUNK, IDX_CHUNK)]],
                bufs[c % NBUF],
                gsems[c % NBUF],
            )

        def scatter(c):
            return pltpu.async_copy(
                bufs[c % NBUF],
                out_hbm.at[pl.ds(base + c * IDX_CHUNK, IDX_CHUNK)],
                ssems[c % NBUF],
            )

        depth = min(NBUF - 1, nchunk)
        gpend = [gather(c) for c in range(depth)]
        spend = [None] * NBUF
        for j in range(nchunk):
            gpend[j % depth].wait()
            spend[j % NBUF] = scatter(j)
            nxt = j + depth
            if nxt < nchunk:
                if spend[nxt % NBUF] is not None:
                    spend[nxt % NBUF].wait()
                gpend[nxt % depth] = gather(nxt)
        for p in spend:
            if p is not None:
                p.wait()

    return gather_kernel


def kernel(indices, codebook, W, b):
    bsz, tlen = indices.shape
    vocab = codebook.shape[0]
    proj = _make_project(vocab)(codebook, W, b)
    out = _make_gather(bsz, tlen)(indices.astype(jnp.int32), proj)
    return out.reshape(bsz, tlen, DIM)

# --- scband reference (transcript-rebuilt; emitter-appended) ---
"""Pipeline reference for scband-inv-quantizer-jit-66245575573923 (READ-ONLY COPY).

The authoritative reference and input builder live on the scoring server;
editing this copy changes nothing except your own understanding.
"""

import jax, jax.numpy as jnp
import numpy as np

CODEBOOK_SIZE = 8192
CODE_DIM = 64
DIM = 256
B, T = 16, 1024

def setup_inputs(seed: int = 0) -> dict:
    key = jax.random.key(seed)
    k1, k2, k3 = jax.random.split(key, 3)
    indices = jax.random.randint(k1, (B, T), 0, CODEBOOK_SIZE)
    codebook = jax.random.normal(k2, (CODEBOOK_SIZE, CODE_DIM), dtype=jnp.float32)
    W = jax.random.normal(k3, (CODE_DIM, DIM), dtype=jnp.float32) * 0.05
    b = jnp.zeros((DIM,), dtype=jnp.float32)
    return {"indices": indices, "codebook": codebook, "W": W, "b": b}

def reference(indices, codebook, W, b):
    # quantizer.indices_to_codes: embedding lookup into codebook
    codes = jnp.take(codebook, indices, axis=0)  # [B, T, CODE_DIM]
    # project_out from codebook_dim back to model dim (part of indices_to_codes
    # in VectorQuantize-style quantizers when codebook_dim != dim)
    out = codes @ W + b  # [B, T, DIM]
    # .to(self.quantizer.dtype)
    return out.astype(jnp.float32)

if __name__ == "__main__":
    import jax
    _d = setup_inputs()
    print(jax.jit(kernel)(*tuple(_d.values())))

</pallas_src>

<mosaic_0001>
#map = affine_map<(d0, d1) -> (0, 0)>
module attributes {stable_mosaic.version = 14 : i64} {
  func.func @gather_kernel(%arg0: i32, %arg1: i32, %arg2: memref<16x1024xi32, #tpu.memory_space<hbm>>, %arg3: memref<8192x256xf32, #tpu.memory_space<hbm>>, %arg4: memref<16384x256xf32, #tpu.memory_space<hbm>>, %arg5: memref<512xi32, #tpu.memory_space<vmem>>, %arg6: memref<32x256xf32, #tpu.memory_space<vmem>>, %arg7: memref<32x256xf32, #tpu.memory_space<vmem>>, %arg8: memref<32x256xf32, #tpu.memory_space<vmem>>, %arg9: memref<32x256xf32, #tpu.memory_space<vmem>>, %arg10: memref<32x256xf32, #tpu.memory_space<vmem>>, %arg11: memref<32x256xf32, #tpu.memory_space<vmem>>, %arg12: memref<32x256xf32, #tpu.memory_space<vmem>>, %arg13: memref<32x256xf32, #tpu.memory_space<vmem>>, %arg14: memref<32x256xf32, #tpu.memory_space<vmem>>, %arg15: memref<32x256xf32, #tpu.memory_space<vmem>>, %arg16: memref<32x256xf32, #tpu.memory_space<vmem>>, %arg17: memref<32x256xf32, #tpu.memory_space<vmem>>, %arg18: memref<32x256xf32, #tpu.memory_space<vmem>>, %arg19: memref<32x256xf32, #tpu.memory_space<vmem>>, %arg20: memref<!tpu.dma_semaphore, #tpu.memory_space<semaphore_mem>>, %arg21: memref<!tpu.dma_semaphore, #tpu.memory_space<semaphore_mem>>, %arg22: memref<!tpu.dma_semaphore, #tpu.memory_space<semaphore_mem>>, %arg23: memref<!tpu.dma_semaphore, #tpu.memory_space<semaphore_mem>>, %arg24: memref<!tpu.dma_semaphore, #tpu.memory_space<semaphore_mem>>, %arg25: memref<!tpu.dma_semaphore, #tpu.memory_space<semaphore_mem>>, %arg26: memref<!tpu.dma_semaphore, #tpu.memory_space<semaphore_mem>>, %arg27: memref<!tpu.dma_semaphore, #tpu.memory_space<semaphore_mem>>, %arg28: memref<!tpu.dma_semaphore, #tpu.memory_space<semaphore_mem>>, %arg29: memref<!tpu.dma_semaphore, #tpu.memory_space<semaphore_mem>>, %arg30: memref<!tpu.dma_semaphore, #tpu.memory_space<semaphore_mem>>, %arg31: memref<!tpu.dma_semaphore, #tpu.memory_space<semaphore_mem>>, %arg32: memref<!tpu.dma_semaphore, #tpu.memory_space<semaphore_mem>>, %arg33: memref<!tpu.dma_semaphore, #tpu.memory_space<semaphore_mem>>, %arg34: memref<!tpu.dma_semaphore, #tpu.memory_space<semaphore_mem>>, %arg35: memref<!tpu.dma_semaphore, #tpu.memory_space<semaphore_mem>>, %arg36: memref<!tpu.dma_semaphore, #tpu.memory_space<semaphore_mem>>, %arg37: memref<!tpu.dma_semaphore, #tpu.memory_space<semaphore_mem>>, %arg38: memref<!tpu.dma_semaphore, #tpu.memory_space<semaphore_mem>>, %arg39: memref<!tpu.dma_semaphore, #tpu.memory_space<semaphore_mem>>, %arg40: memref<!tpu.dma_semaphore, #tpu.memory_space<semaphore_mem>>, %arg41: memref<!tpu.dma_semaphore, #tpu.memory_space<semaphore_mem>>, %arg42: memref<!tpu.dma_semaphore, #tpu.memory_space<semaphore_mem>>, %arg43: memref<!tpu.dma_semaphore, #tpu.memory_space<semaphore_mem>>, %arg44: memref<!tpu.dma_semaphore, #tpu.memory_space<semaphore_mem>>, %arg45: memref<!tpu.dma_semaphore, #tpu.memory_space<semaphore_mem>>, %arg46: memref<!tpu.dma_semaphore, #tpu.memory_space<semaphore_mem>>, %arg47: memref<!tpu.dma_semaphore, #tpu.memory_space<semaphore_mem>>) attributes {dimension_semantics = [#tpu.dimension_semantics<core_parallel>, #tpu.dimension_semantics<subcore_parallel>], iteration_bounds = array<i64: 2, 16>, scalar_prefetch = 0 : i64, scratch_operands = 43 : i64, tpu.core_type = #tpu.core_type<sc_vector_subcore>, window_params = [{transform_indices = #map}, {transform_indices = #map}, {transform_indices = #map}]} {
    %mul3A = arith.constant 2 : i32
    %mul3A_0 = arith.muli %arg1, %mul3A : i32
    %add3A = arith.addi %mul3A_0, %arg0 : i32
    %mul3A_1 = arith.constant 512 : i32
    %mul3A_2 = arith.muli %add3A, %mul3A_1 : i32
    %jit3A = arith.constant 2 : i32
    %div3A = arith.divsi %add3A, %jit3A : i32
    %sign3A = arith.constant 0 : i32
    %sign3A_3 = arith.cmpi sgt, %add3A, %sign3A : i32
    %sign3A_4 = arith.extui %sign3A_3 : i1 to i32
    %sign3A_5 = arith.constant 0 : i32
    %sign3A_6 = arith.cmpi slt, %add3A, %sign3A_5 : i32
    %sign3A_7 = arith.extui %sign3A_6 : i1 to i32
    %sign3A_8 = arith.subi %sign3A_4, %sign3A_7 : i32
    %sign3A_9 = arith.constant 0 : i32
    %sign3A_10 = arith.cmpi sgt, %jit3A, %sign3A_9 : i32
    %sign3A_11 = arith.extui %sign3A_10 : i1 to i32
    %sign3A_12 = arith.constant 0 : i32
    %sign3A_13 = arith.cmpi slt, %jit3A, %sign3A_12 : i32
    %sign3A_14 = arith.extui %sign3A_13 : i1 to i32
    %sign3A_15 = arith.subi %sign3A_11, %sign3A_14 : i32
    %ne3A = arith.cmpi ne, %sign3A_8, %sign3A_15 : i32
    %rem3A = arith.remsi %add3A, %jit3A : i32
    %ne3A_16 = arith.constant 0 : i32
    %ne3A_17 = arith.cmpi ne, %rem3A, %ne3A_16 : i32
    %and3A = arith.andi %ne3A, %ne3A_17 : i1
    %sub3A = arith.constant 1 : i32
    %sub3A_18 = arith.subi %div3A, %sub3A : i32
    %select_n3A = arith.select %and3A, %sub3A_18, %div3A : i32
    %jit3A_19 = arith.constant 2 : i32
    %eq3A = arith.constant 0 : i32
    %eq3A_20 = arith.cmpi eq, %jit3A_19, %eq3A : i32
    %jit3A_21 = arith.constant 1 : i32
    %select_n3A_22 = arith.select %eq3A_20, %jit3A_21, %jit3A_19 : i32
    %rem3A_23 = arith.remsi %add3A, %select_n3A_22 : i32
    %ne3A_24 = arith.constant 0 : i32
    %ne3A_25 = arith.cmpi ne, %rem3A_23, %ne3A_24 : i32
    %lt3A = arith.constant 0 : i32
    %lt3A_26 = arith.cmpi slt, %rem3A_23, %lt3A : i32
    %lt3A_27 = arith.constant 0 : i32
    %lt3A_28 = arith.cmpi slt, %select_n3A_22, %lt3A_27 : i32
    %ne3A_29 = arith.xori %lt3A_26, %lt3A_28 : i1
    %and3A_30 = arith.andi %ne3A_29, %ne3A_25 : i1
    %add3A_31 = arith.addi %rem3A_23, %select_n3A_22 : i32
    %select_n3A_32 = arith.select %and3A_30, %add3A_31, %rem3A_23 : i32
    %mul3A_33 = arith.constant 512 : i32
    %mul3A_34 = arith.muli %select_n3A_32, %mul3A_33 : i32
    "tpu.region"() ({
      %run_scoped3A = tpu.sem_alloc : memref<!tpu.dma_semaphore, #tpu.memory_space<semaphore_mem>>
      %dma_start3A_353 = tpu.memref_slice %arg2[%select_n3A, %mul3A_34] : memref<16x1024xi32, #tpu.memory_space<hbm>> -> memref<1x512xi32, #tpu.memory_space<hbm>>
      %dma_start3A_354 = tpu.memref_squeeze %dma_start3A_353 : memref<1x512xi32, #tpu.memory_space<hbm>> -> memref<512xi32, #tpu.memory_space<hbm>>
      %dma_start3A_355 = tpu.memref_slice %arg2[%select_n3A, %mul3A_34] : memref<16x1024xi32, #tpu.memory_space<hbm>> -> memref<1x512xi32, #tpu.memory_space<hbm>>
      %dma_start3A_356 = tpu.memref_squeeze %dma_start3A_355 : memref<1x512xi32, #tpu.memory_space<hbm>> -> memref<512xi32, #tpu.memory_space<hbm>>
      tpu.enqueue_dma source(%dma_start3A_356 : memref<512xi32, #tpu.memory_space<hbm>>) target(%arg5 : memref<512xi32, #tpu.memory_space<vmem>>) target_semaphore(%run_scoped3A : memref<!tpu.dma_semaphore, #tpu.memory_space<semaphore_mem>>)
      %dma_wait3A_357 = tpu.memref_slice %arg2[%select_n3A, %mul3A_34] : memref<16x1024xi32, #tpu.memory_space<hbm>> -> memref<1x512xi32, #tpu.memory_space<hbm>>
      %dma_wait3A_358 = tpu.memref_squeeze %dma_wait3A_357 : memref<1x512xi32, #tpu.memory_space<hbm>> -> memref<512xi32, #tpu.memory_space<hbm>>
      %dma_wait3A_359 = tpu.memref_slice %arg2[%select_n3A, %mul3A_34] : memref<16x1024xi32, #tpu.memory_space<hbm>> -> memref<1x512xi32, #tpu.memory_space<hbm>>
      %dma_wait3A_360 = tpu.memref_squeeze %dma_wait3A_359 : memref<1x512xi32, #tpu.memory_space<hbm>> -> memref<512xi32, #tpu.memory_space<hbm>>
      tpu.wait_dma2 semaphore(%run_scoped3A : memref<!tpu.dma_semaphore, #tpu.memory_space<semaphore_mem>>) src(%dma_wait3A_360 : memref<512xi32, #tpu.memory_space<hbm>>) dst(%arg5 : memref<512xi32, #tpu.memory_space<vmem>>)
      tpu.yield
    }) : () -> ()
    %dma_start3A = arith.constant 0 : i32
    %dma_start3A_35 = tpu.memref_slice %arg5[%dma_start3A] : memref<512xi32, #tpu.memory_space<vmem>> -> memref<32xi32, #tpu.memory_space<vmem>>
    %dma_start3A_36 = arith.constant 0 : i32
    %dma_start3A_37 = arith.constant 0 : i32
    %dma_start3A_38 = tpu.memref_slice %arg3[%dma_start3A_36, %dma_start3A_37] : memref<8192x256xf32, #tpu.memory_space<hbm>> -> memref<8192x256xf32, #tpu.memory_space<hbm>>
    tpu.enqueue_indirect_dma source(%dma_start3A_38 : memref<8192x256xf32, #tpu.memory_space<hbm>>) target(%arg6 : memref<32x256xf32, #tpu.memory_space<vmem>>) offsets(%dma_start3A_35 : memref<32xi32, #tpu.memory_space<vmem>>) semaphore(%arg20 : memref<!tpu.dma_semaphore, #tpu.memory_space<semaphore_mem>>)
    %dma_start3A_39 = arith.constant 32 : i32
    %dma_start3A_40 = tpu.memref_slice %arg5[%dma_start3A_39] : memref<512xi32, #tpu.memory_space<vmem>> -> memref<32xi32, #tpu.memory_space<vmem>>
    %dma_start3A_41 = arith.constant 0 : i32
    %dma_start3A_42 = arith.constant 0 : i32
    %dma_start3A_43 = tpu.memref_slice %arg3[%dma_start3A_41, %dma_start3A_42] : memref<8192x256xf32, #tpu.memory_space<hbm>> -> memref<8192x256xf32, #tpu.memory_space<hbm>>
    tpu.enqueue_indirect_dma source(%dma_start3A_43 : memref<8192x256xf32, #tpu.memory_space<hbm>>) target(%arg7 : memref<32x256xf32, #tpu.memory_space<vmem>>) offsets(%dma_start3A_40 : memref<32xi32, #tpu.memory_space<vmem>>) semaphore(%arg21 : memref<!tpu.dma_semaphore, #tpu.memory_space<semaphore_mem>>)
    %dma_start3A_44 = arith.constant 64 : i32
    %dma_start3A_45 = tpu.memref_slice %arg5[%dma_start3A_44] : memref<512xi32, #tpu.memory_space<vmem>> -> memref<32xi32, #tpu.memory_space<vmem>>
    %dma_start3A_46 = arith.constant 0 : i32
    %dma_start3A_47 = arith.constant 0 : i32
    %dma_start3A_48 = tpu.memref_slice %arg3[%dma_start3A_46, %dma_start3A_47] : memref<8192x256xf32, #tpu.memory_space<hbm>> -> memref<8192x256xf32, #tpu.memory_space<hbm>>
    tpu.enqueue_indirect_dma source(%dma_start3A_48 : memref<8192x256xf32, #tpu.memory_space<hbm>>) target(%arg8 : memref<32x256xf32, #tpu.memory_space<vmem>>) offsets(%dma_start3A_45 : memref<32xi32, #tpu.memory_space<vmem>>) semaphore(%arg22 : memref<!tpu.dma_semaphore, #tpu.memory_space<semaphore_mem>>)
    %dma_start3A_49 = arith.constant 96 : i32
    %dma_start3A_50 = tpu.memref_slice %arg5[%dma_start3A_49] : memref<512xi32, #tpu.memory_space<vmem>> -> memref<32xi32, #tpu.memory_space<vmem>>
    %dma_start3A_51 = arith.constant 0 : i32
    %dma_start3A_52 = arith.constant 0 : i32
    %dma_start3A_53 = tpu.memref_slice %arg3[%dma_start3A_51, %dma_start3A_52] : memref<8192x256xf32, #tpu.memory_space<hbm>> -> memref<8192x256xf32, #tpu.memory_space<hbm>>
    tpu.enqueue_indirect_dma source(%dma_start3A_53 : memref<8192x256xf32, #tpu.memory_space<hbm>>) target(%arg9 : memref<32x256xf32, #tpu.memory_space<vmem>>) offsets(%dma_start3A_50 : memref<32xi32, #tpu.memory_space<vmem>>) semaphore(%arg23 : memref<!tpu.dma_semaphore, #tpu.memory_space<semaphore_mem>>)
    %dma_start3A_54 = arith.constant 128 : i32
    %dma_start3A_55 = tpu.memref_slice %arg5[%dma_start3A_54] : memref<512xi32, #tpu.memory_space<vmem>> -> memref<32xi32, #tpu.memory_space<vmem>>
    %dma_start3A_56 = arith.constant 0 : i32
    %dma_start3A_57 = arith.constant 0 : i32
    %dma_start3A_58 = tpu.memref_slice %arg3[%dma_start3A_56, %dma_start3A_57] : memref<8192x256xf32, #tpu.memory_space<hbm>> -> memref<8192x256xf32, #tpu.memory_space<hbm>>
    tpu.enqueue_indirect_dma source(%dma_start3A_58 : memref<8192x256xf32, #tpu.memory_space<hbm>>) target(%arg10 : memref<32x256xf32, #tpu.memory_space<vmem>>) offsets(%dma_start3A_55 : memref<32xi32, #tpu.memory_space<vmem>>) semaphore(%arg24 : memref<!tpu.dma_semaphore, #tpu.memory_space<semaphore_mem>>)
    %dma_start3A_59 = arith.constant 160 : i32
    %dma_start3A_60 = tpu.memref_slice %arg5[%dma_start3A_59] : memref<512xi32, #tpu.memory_space<vmem>> -> memref<32xi32, #tpu.memory_space<vmem>>
    %dma_start3A_61 = arith.constant 0 : i32
    %dma_start3A_62 = arith.constant 0 : i32
    %dma_start3A_63 = tpu.memref_slice %arg3[%dma_start3A_61, %dma_start3A_62] : memref<8192x256xf32, #tpu.memory_space<hbm>> -> memref<8192x256xf32, #tpu.memory_space<hbm>>
    tpu.enqueue_indirect_dma source(%dma_start3A_63 : memref<8192x256xf32, #tpu.memory_space<hbm>>) target(%arg11 : memref<32x256xf32, #tpu.memory_space<vmem>>) offsets(%dma_start3A_60 : memref<32xi32, #tpu.memory_space<vmem>>) semaphore(%arg25 : memref<!tpu.dma_semaphore, #tpu.memory_space<semaphore_mem>>)
    %dma_start3A_64 = arith.constant 192 : i32
    %dma_start3A_65 = tpu.memref_slice %arg5[%dma_start3A_64] : memref<512xi32, #tpu.memory_space<vmem>> -> memref<32xi32, #tpu.memory_space<vmem>>
    %dma_start3A_66 = arith.constant 0 : i32
    %dma_start3A_67 = arith.constant 0 : i32
    %dma_start3A_68 = tpu.memref_slice %arg3[%dma_start3A_66, %dma_start3A_67] : memref<8192x256xf32, #tpu.memory_space<hbm>> -> memref<8192x256xf32, #tpu.memory_space<hbm>>
    tpu.enqueue_indirect_dma source(%dma_start3A_68 : memref<8192x256xf32, #tpu.memory_space<hbm>>) target(%arg12 : memref<32x256xf32, #tpu.memory_space<vmem>>) offsets(%dma_start3A_65 : memref<32xi32, #tpu.memory_space<vmem>>) semaphore(%arg26 : memref<!tpu.dma_semaphore, #tpu.memory_space<semaphore_mem>>)
    %dma_start3A_69 = arith.constant 224 : i32
    %dma_start3A_70 = tpu.memref_slice %arg5[%dma_start3A_69] : memref<512xi32, #tpu.memory_space<vmem>> -> memref<32xi32, #tpu.memory_space<vmem>>
    %dma_start3A_71 = arith.constant 0 : i32
    %dma_start3A_72 = arith.constant 0 : i32
    %dma_start3A_73 = tpu.memref_slice %arg3[%dma_start3A_71, %dma_start3A_72] : memref<8192x256xf32, #tpu.memory_space<hbm>> -> memref<8192x256xf32, #tpu.memory_space<hbm>>
    tpu.enqueue_indirect_dma source(%dma_start3A_73 : memref<8192x256xf32, #tpu.memory_space<hbm>>) target(%arg13 : memref<32x256xf32, #tpu.memory_space<vmem>>) offsets(%dma_start3A_70 : memref<32xi32, #tpu.memory_space<vmem>>) semaphore(%arg27 : memref<!tpu.dma_semaphore, #tpu.memory_space<semaphore_mem>>)
    %dma_start3A_74 = arith.constant 256 : i32
    %dma_start3A_75 = tpu.memref_slice %arg5[%dma_start3A_74] : memref<512xi32, #tpu.memory_space<vmem>> -> memref<32xi32, #tpu.memory_space<vmem>>
    %dma_start3A_76 = arith.constant 0 : i32
    %dma_start3A_77 = arith.constant 0 : i32
    %dma_start3A_78 = tpu.memref_slice %arg3[%dma_start3A_76, %dma_start3A_77] : memref<8192x256xf32, #tpu.memory_space<hbm>> -> memref<8192x256xf32, #tpu.memory_space<hbm>>
    tpu.enqueue_indirect_dma source(%dma_start3A_78 : memref<8192x256xf32, #tpu.memory_space<hbm>>) target(%arg14 : memref<32x256xf32, #tpu.memory_space<vmem>>) offsets(%dma_start3A_75 : memref<32xi32, #tpu.memory_space<vmem>>) semaphore(%arg28 : memref<!tpu.dma_semaphore, #tpu.memory_space<semaphore_mem>>)
    %dma_start3A_79 = arith.constant 288 : i32
    %dma_start3A_80 = tpu.memref_slice %arg5[%dma_start3A_79] : memref<512xi32, #tpu.memory_space<vmem>> -> memref<32xi32, #tpu.memory_space<vmem>>
    %dma_start3A_81 = arith.constant 0 : i32
    %dma_start3A_82 = arith.constant 0 : i32
    %dma_start3A_83 = tpu.memref_slice %arg3[%dma_start3A_81, %dma_start3A_82] : memref<8192x256xf32, #tpu.memory_space<hbm>> -> memref<8192x256xf32, #tpu.memory_space<hbm>>
    tpu.enqueue_indirect_dma source(%dma_start3A_83 : memref<8192x256xf32, #tpu.memory_space<hbm>>) target(%arg15 : memref<32x256xf32, #tpu.memory_space<vmem>>) offsets(%dma_start3A_80 : memref<32xi32, #tpu.memory_space<vmem>>) semaphore(%arg29 : memref<!tpu.dma_semaphore, #tpu.memory_space<semaphore_mem>>)
    %dma_start3A_84 = arith.constant 320 : i32
    %dma_start3A_85 = tpu.memref_slice %arg5[%dma_start3A_84] : memref<512xi32, #tpu.memory_space<vmem>> -> memref<32xi32, #tpu.memory_space<vmem>>
    %dma_start3A_86 = arith.constant 0 : i32
    %dma_start3A_87 = arith.constant 0 : i32
    %dma_start3A_88 = tpu.memref_slice %arg3[%dma_start3A_86, %dma_start3A_87] : memref<8192x256xf32, #tpu.memory_space<hbm>> -> memref<8192x256xf32, #tpu.memory_space<hbm>>
    tpu.enqueue_indirect_dma source(%dma_start3A_88 : memref<8192x256xf32, #tpu.memory_space<hbm>>) target(%arg16 : memref<32x256xf32, #tpu.memory_space<vmem>>) offsets(%dma_start3A_85 : memref<32xi32, #tpu.memory_space<vmem>>) semaphore(%arg30 : memref<!tpu.dma_semaphore, #tpu.memory_space<semaphore_mem>>)
    %dma_start3A_89 = arith.constant 352 : i32
    %dma_start3A_90 = tpu.memref_slice %arg5[%dma_start3A_89] : memref<512xi32, #tpu.memory_space<vmem>> -> memref<32xi32, #tpu.memory_space<vmem>>
    %dma_start3A_91 = arith.constant 0 : i32
    %dma_start3A_92 = arith.constant 0 : i32
    %dma_start3A_93 = tpu.memref_slice %arg3[%dma_start3A_91, %dma_start3A_92] : memref<8192x256xf32, #tpu.memory_space<hbm>> -> memref<8192x256xf32, #tpu.memory_space<hbm>>
    tpu.enqueue_indirect_dma source(%dma_start3A_93 : memref<8192x256xf32, #tpu.memory_space<hbm>>) target(%arg17 : memref<32x256xf32, #tpu.memory_space<vmem>>) offsets(%dma_start3A_90 : memref<32xi32, #tpu.memory_space<vmem>>) semaphore(%arg31 : memref<!tpu.dma_semaphore, #tpu.memory_space<semaphore_mem>>)
    %dma_start3A_94 = arith.constant 384 : i32
    %dma_start3A_95 = tpu.memref_slice %arg5[%dma_start3A_94] : memref<512xi32, #tpu.memory_space<vmem>> -> memref<32xi32, #tpu.memory_space<vmem>>
    %dma_start3A_96 = arith.constant 0 : i32
    %dma_start3A_97 = arith.constant 0 : i32
    %dma_start3A_98 = tpu.memref_slice %arg3[%dma_start3A_96, %dma_start3A_97] : memref<8192x256xf32, #tpu.memory_space<hbm>> -> memref<8192x256xf32, #tpu.memory_space<hbm>>
    tpu.enqueue_indirect_dma source(%dma_start3A_98 : memref<8192x256xf32, #tpu.memory_space<hbm>>) target(%arg18 : memref<32x256xf32, #tpu.memory_space<vmem>>) offsets(%dma_start3A_95 : memref<32xi32, #tpu.memory_space<vmem>>) semaphore(%arg32 : memref<!tpu.dma_semaphore, #tpu.memory_space<semaphore_mem>>)
    %dma_wait3A = arith.constant 0 : i32
    %dma_wait3A_99 = tpu.memref_slice %arg5[%dma_wait3A] : memref<512xi32, #tpu.memory_space<vmem>> -> memref<32xi32, #tpu.memory_space<vmem>>
    %dma_wait3A_100 = arith.constant 0 : i32
    %dma_wait3A_101 = arith.constant 0 : i32
    %dma_wait3A_102 = tpu.memref_slice %arg3[%dma_wait3A_100, %dma_wait3A_101] : memref<8192x256xf32, #tpu.memory_space<hbm>> -> memref<8192x256xf32, #tpu.memory_space<hbm>>
    tpu.wait_indirect_dma semaphore(%arg20 : memref<!tpu.dma_semaphore, #tpu.memory_space<semaphore_mem>>) src(%dma_wait3A_102 : memref<8192x256xf32, #tpu.memory_space<hbm>>) dst(%arg6 : memref<32x256xf32, #tpu.memory_space<vmem>>)
    %add3A_103 = arith.constant 0 : i32
    %add3A_104 = arith.addi %mul3A_2, %add3A_103 : i32
    %dma_start3A_105 = arith.constant 0 : i32
    %dma_start3A_106 = tpu.memref_slice %arg4[%add3A_104, %dma_start3A_105] : memref<16384x256xf32, #tpu.memory_space<hbm>> -> memref<32x256xf32, #tpu.memory_space<hbm>>
    %dma_start3A_107 = arith.constant 0 : i32
    %dma_start3A_108 = tpu.memref_slice %arg4[%add3A_104, %dma_start3A_107] : memref<16384x256xf32, #tpu.memory_space<hbm>> -> memref<32x256xf32, #tpu.memory_space<hbm>>
    tpu.enqueue_dma source(%arg6 : memref<32x256xf32, #tpu.memory_space<vmem>>) target(%dma_start3A_108 : memref<32x256xf32, #tpu.memory_space<hbm>>) target_semaphore(%arg34 : memref<!tpu.dma_semaphore, #tpu.memory_space<semaphore_mem>>)
    %dma_start3A_109 = arith.constant 416 : i32
    %dma_start3A_110 = tpu.memref_slice %arg5[%dma_start3A_109] : memref<512xi32, #tpu.memory_space<vmem>> -> memref<32xi32, #tpu.memory_space<vmem>>
    %dma_start3A_111 = arith.constant 0 : i32
    %dma_start3A_112 = arith.constant 0 : i32
    %dma_start3A_113 = tpu.memref_slice %arg3[%dma_start3A_111, %dma_start3A_112] : memref<8192x256xf32, #tpu.memory_space<hbm>> -> memref<8192x256xf32, #tpu.memory_space<hbm>>
    tpu.enqueue_indirect_dma source(%dma_start3A_113 : memref<8192x256xf32, #tpu.memory_space<hbm>>) target(%arg19 : memref<32x256xf32, #tpu.memory_space<vmem>>) offsets(%dma_start3A_110 : memref<32xi32, #tpu.memory_space<vmem>>) semaphore(%arg33 : memref<!tpu.dma_semaphore, #tpu.memory_space<semaphore_mem>>)
    %dma_wait3A_114 = arith.constant 32 : i32
    %dma_wait3A_115 = tpu.memref_slice %arg5[%dma_wait3A_114] : memref<512xi32, #tpu.memory_space<vmem>> -> memref<32xi32, #tpu.memory_space<vmem>>
    %dma_wait3A_116 = arith.constant 0 : i32
    %dma_wait3A_117 = arith.constant 0 : i32
    %dma_wait3A_118 = tpu.memref_slice %arg3[%dma_wait3A_116, %dma_wait3A_117] : memref<8192x256xf32, #tpu.memory_space<hbm>> -> memref<8192x256xf32, #tpu.memory_space<hbm>>
    tpu.wait_indirect_dma semaphore(%arg21 : memref<!tpu.dma_semaphore, #tpu.memory_space<semaphore_mem>>) src(%dma_wait3A_118 : memref<8192x256xf32, #tpu.memory_space<hbm>>) dst(%arg7 : memref<32x256xf32, #tpu.memory_space<vmem>>)
    %add3A_119 = arith.constant 32 : i32
    %add3A_120 = arith.addi %mul3A_2, %add3A_119 : i32
    %dma_start3A_121 = arith.constant 0 : i32
    %dma_start3A_122 = tpu.memref_slice %arg4[%add3A_120, %dma_start3A_121] : memref<16384x256xf32, #tpu.memory_space<hbm>> -> memref<32x256xf32, #tpu.memory_space<hbm>>
    %dma_start3A_123 = arith.constant 0 : i32
    %dma_start3A_124 = tpu.memref_slice %arg4[%add3A_120, %dma_start3A_123] : memref<16384x256xf32, #tpu.memory_space<hbm>> -> memref<32x256xf32, #tpu.memory_space<hbm>>
    tpu.enqueue_dma source(%arg7 : memref<32x256xf32, #tpu.memory_space<vmem>>) target(%dma_start3A_124 : memref<32x256xf32, #tpu.memory_space<hbm>>) target_semaphore(%arg35 : memref<!tpu.dma_semaphore, #tpu.memory_space<semaphore_mem>>)
    %dma_wait3A_125 = arith.constant 0 : i32
    %dma_wait3A_126 = tpu.memref_slice %arg4[%add3A_104, %dma_wait3A_125] : memref<16384x256xf32, #tpu.memory_space<hbm>> -> memref<32x256xf32, #tpu.memory_space<hbm>>
    %dma_wait3A_127 = arith.constant 0 : i32
    %dma_wait3A_128 = tpu.memref_slice %arg4[%add3A_104, %dma_wait3A_127] : memref<16384x256xf32, #tpu.memory_space<hbm>> -> memref<32x256xf32, #tpu.memory_space<hbm>>
    tpu.wait_dma2 semaphore(%arg34 : memref<!tpu.dma_semaphore, #tpu.memory_space<semaphore_mem>>) src(%arg6 : memref<32x256xf32, #tpu.memory_space<vmem>>) dst(%dma_wait3A_128 : memref<32x256xf32, #tpu.memory_space<hbm>>)
    %dma_start3A_129 = arith.constant 448 : i32
    %dma_start3A_130 = tpu.memref_slice %arg5[%dma_start3A_129] : memref<512xi32, #tpu.memory_space<vmem>> -> memref<32xi32, #tpu.memory_space<vmem>>
    %dma_start3A_131 = arith.constant 0 : i32
    %dma_start3A_132 = arith.constant 0 : i32
    %dma_start3A_133 = tpu.memref_slice %arg3[%dma_start3A_131, %dma_start3A_132] : memref<8192x256xf32, #tpu.memory_space<hbm>> -> memref<8192x256xf32, #tpu.memory_space<hbm>>
    tpu.enqueue_indirect_dma source(%dma_start3A_133 : memref<8192x256xf32, #tpu.memory_space<hbm>>) target(%arg6 : memref<32x256xf32, #tpu.memory_space<vmem>>) offsets(%dma_start3A_130 : memref<32xi32, #tpu.memory_space<vmem>>) semaphore(%arg20 : memref<!tpu.dma_semaphore, #tpu.memory_space<semaphore_mem>>)
    %dma_wait3A_134 = arith.constant 64 : i32
    %dma_wait3A_135 = tpu.memref_slice %arg5[%dma_wait3A_134] : memref<512xi32, #tpu.memory_space<vmem>> -> memref<32xi32, #tpu.memory_space<vmem>>
    %dma_wait3A_136 = arith.constant 0 : i32
    %dma_wait3A_137 = arith.constant 0 : i32
    %dma_wait3A_138 = tpu.memref_slice %arg3[%dma_wait3A_136, %dma_wait3A_137] : memref<8192x256xf32, #tpu.memory_space<hbm>> -> memref<8192x256xf32, #tpu.memory_space<hbm>>
    tpu.wait_indirect_dma semaphore(%arg22 : memref<!tpu.dma_semaphore, #tpu.memory_space<semaphore_mem>>) src(%dma_wait3A_138 : memref<8192x256xf32, #tpu.memory_space<hbm>>) dst(%arg8 : memref<32x256xf32, #tpu.memory_space<vmem>>)
    %add3A_139 = arith.constant 64 : i32
    %add3A_140 = arith.addi %mul3A_2, %add3A_139 : i32
    %dma_start3A_141 = arith.constant 0 : i32
    %dma_start3A_142 = tpu.memref_slice %arg4[%add3A_140, %dma_start3A_141] : memref<16384x256xf32, #tpu.memory_space<hbm>> -> memref<32x256xf32, #tpu.memory_space<hbm>>
    %dma_start3A_143 = arith.constant 0 : i32
    %dma_start3A_144 = tpu.memref_slice %arg4[%add3A_140, %dma_start3A_143] : memref<16384x256xf32, #tpu.memory_space<hbm>> -> memref<32x256xf32, #tpu.memory_space<hbm>>
    tpu.enqueue_dma source(%arg8 : memref<32x256xf32, #tpu.memory_space<vmem>>) target(%dma_start3A_144 : memref<32x256xf32, #tpu.memory_space<hbm>>) target_semaphore(%arg36 : memref<!tpu.dma_semaphore, #tpu.memory_space<semaphore_mem>>)
    %dma_wait3A_145 = arith.constant 0 : i32
    %dma_wait3A_146 = tpu.memref_slice %arg4[%add3A_120, %dma_wait3A_145] : memref<16384x256xf32, #tpu.memory_space<hbm>> -> memref<32x256xf32, #tpu.memory_space<hbm>>
    %dma_wait3A_147 = arith.constant 0 : i32
    %dma_wait3A_148 = tpu.memref_slice %arg4[%add3A_120, %dma_wait3A_147] : memref<16384x256xf32, #tpu.memory_space<hbm>> -> memref<32x256xf32, #tpu.memory_space<hbm>>
    tpu.wait_dma2 semaphore(%arg35 : memref<!tpu.dma_semaphore, #tpu.memory_space<semaphore_mem>>) src(%arg7 : memref<32x256xf32, #tpu.memory_space<vmem>>) dst(%dma_wait3A_148 : memref<32x256xf32, #tpu.memory_space<hbm>>)
    %dma_start3A_149 = arith.constant 480 : i32
    %dma_start3A_150 = tpu.memref_slice %arg5[%dma_start3A_149] : memref<512xi32, #tpu.memory_space<vmem>> -> memref<32xi32, #tpu.memory_space<vmem>>
    %dma_start3A_151 = arith.constant 0 : i32
    %dma_start3A_152 = arith.constant 0 : i32
    %dma_start3A_153 = tpu.memref_slice %arg3[%dma_start3A_151, %dma_start3A_152] : memref<8192x256xf32, #tpu.memory_space<hbm>> -> memref<8192x256xf32, #tpu.memory_space<hbm>>
    tpu.enqueue_indirect_dma source(%dma_start3A_153 : memref<8192x256xf32, #tpu.memory_space<hbm>>) target(%arg7 : memref<32x256xf32, #tpu.memory_space<vmem>>) offsets(%dma_start3A_150 : memref<32xi32, #tpu.memory_space<vmem>>) semaphore(%arg21 : memref<!tpu.dma_semaphore, #tpu.memory_space<semaphore_mem>>)
    %dma_wait3A_154 = arith.constant 96 : i32
    %dma_wait3A_155 = tpu.memref_slice %arg5[%dma_wait3A_154] : memref<512xi32, #tpu.memory_space<vmem>> -> memref<32xi32, #tpu.memory_space<vmem>>
    %dma_wait3A_156 = arith.constant 0 : i32
    %dma_wait3A_157 = arith.constant 0 : i32
    %dma_wait3A_158 = tpu.memref_slice %arg3[%dma_wait3A_156, %dma_wait3A_157] : memref<8192x256xf32, #tpu.memory_space<hbm>> -> memref<8192x256xf32, #tpu.memory_space<hbm>>
    tpu.wait_indirect_dma semaphore(%arg23 : memref<!tpu.dma_semaphore, #tpu.memory_space<semaphore_mem>>) src(%dma_wait3A_158 : memref<8192x256xf32, #tpu.memory_space<hbm>>) dst(%arg9 : memref<32x256xf32, #tpu.memory_space<vmem>>)
    %add3A_159 = arith.constant 96 : i32
    %add3A_160 = arith.addi %mul3A_2, %add3A_159 : i32
    %dma_start3A_161 = arith.constant 0 : i32
    %dma_start3A_162 = tpu.memref_slice %arg4[%add3A_160, %dma_start3A_161] : memref<16384x256xf32, #tpu.memory_space<hbm>> -> memref<32x256xf32, #tpu.memory_space<hbm>>
    %dma_start3A_163 = arith.constant 0 : i32
    %dma_start3A_164 = tpu.memref_slice %arg4[%add3A_160, %dma_start3A_163] : memref<16384x256xf32, #tpu.memory_space<hbm>> -> memref<32x256xf32, #tpu.memory_space<hbm>>
    tpu.enqueue_dma source(%arg9 : memref<32x256xf32, #tpu.memory_space<vmem>>) target(%dma_start3A_164 : memref<32x256xf32, #tpu.memory_space<hbm>>) target_semaphore(%arg37 : memref<!tpu.dma_semaphore, #tpu.memory_space<semaphore_mem>>)
    %dma_wait3A_165 = arith.constant 128 : i32
    %dma_wait3A_166 = tpu.memref_slice %arg5[%dma_wait3A_165] : memref<512xi32, #tpu.memory_space<vmem>> -> memref<32xi32, #tpu.memory_space<vmem>>
    %dma_wait3A_167 = arith.constant 0 : i32
    %dma_wait3A_168 = arith.constant 0 : i32
    %dma_wait3A_169 = tpu.memref_slice %arg3[%dma_wait3A_167, %dma_wait3A_168] : memref<8192x256xf32, #tpu.memory_space<hbm>> -> memref<8192x256xf32, #tpu.memory_space<hbm>>
    tpu.wait_indirect_dma semaphore(%arg24 : memref<!tpu.dma_semaphore, #tpu.memory_space<semaphore_mem>>) src(%dma_wait3A_169 : memref<8192x256xf32, #tpu.memory_space<hbm>>) dst(%arg10 : memref<32x256xf32, #tpu.memory_space<vmem>>)
    %add3A_170 = arith.constant 128 : i32
    %add3A_171 = arith.addi %mul3A_2, %add3A_170 : i32
    %dma_start3A_172 = arith.constant 0 : i32
    %dma_start3A_173 = tpu.memref_slice %arg4[%add3A_171, %dma_start3A_172] : memref<16384x256xf32, #tpu.memory_space<hbm>> -> memref<32x256xf32, #tpu.memory_space<hbm>>
    %dma_start3A_174 = arith.constant 0 : i32
    %dma_start3A_175 = tpu.memref_slice %arg4[%add3A_171, %dma_start3A_174] : memref<16384x256xf32, #tpu.memory_space<hbm>> -> memref<32x256xf32, #tpu.memory_space<hbm>>
    tpu.enqueue_dma source(%arg10 : memref<32x256xf32, #tpu.memory_space<vmem>>) target(%dma_start3A_175 : memref<32x256xf32, #tpu.memory_space<hbm>>) target_semaphore(%arg38 : memref<!tpu.dma_semaphore, #tpu.memory_space<semaphore_mem>>)
    %dma_wait3A_176 = arith.constant 160 : i32
    %dma_wait3A_177 = tpu.memref_slice %arg5[%dma_wait3A_176] : memref<512xi32, #tpu.memory_space<vmem>> -> memref<32xi32, #tpu.memory_space<vmem>>
    %dma_wait3A_178 = arith.constant 0 : i32
    %dma_wait3A_179 = arith.constant 0 : i32
    %dma_wait3A_180 = tpu.memref_slice %arg3[%dma_wait3A_178, %dma_wait3A_179] : memref<8192x256xf32, #tpu.memory_space<hbm>> -> memref<8192x256xf32, #tpu.memory_space<hbm>>
    tpu.wait_indirect_dma semaphore(%arg25 : memref<!tpu.dma_semaphore, #tpu.memory_space<semaphore_mem>>) src(%dma_wait3A_180 : memref<8192x256xf32, #tpu.memory_space<hbm>>) dst(%arg11 : memref<32x256xf32, #tpu.memory_space<vmem>>)
    %add3A_181 = arith.constant 160 : i32
    %add3A_182 = arith.addi %mul3A_2, %add3A_181 : i32
    %dma_start3A_183 = arith.constant 0 : i32
    %dma_start3A_184 = tpu.memref_slice %arg4[%add3A_182, %dma_start3A_183] : memref<16384x256xf32, #tpu.memory_space<hbm>> -> memref<32x256xf32, #tpu.memory_space<hbm>>
    %dma_start3A_185 = arith.constant 0 : i32
    %dma_start3A_186 = tpu.memref_slice %arg4[%add3A_182, %dma_start3A_185] : memref<16384x256xf32, #tpu.memory_space<hbm>> -> memref<32x256xf32, #tpu.memory_space<hbm>>
    tpu.enqueue_dma source(%arg11 : memref<32x256xf32, #tpu.memory_space<vmem>>) target(%dma_start3A_186 : memref<32x256xf32, #tpu.memory_space<hbm>>) target_semaphore(%arg39 : memref<!tpu.dma_semaphore, #tpu.memory_space<semaphore_mem>>)
    %dma_wait3A_187 = arith.constant 192 : i32
    %dma_wait3A_188 = tpu.memref_slice %arg5[%dma_wait3A_187] : memref<512xi32, #tpu.memory_space<vmem>> -> memref<32xi32, #tpu.memory_space<vmem>>
    %dma_wait3A_189 = arith.constant 0 : i32
    %dma_wait3A_190 = arith.constant 0 : i32
    %dma_wait3A_191 = tpu.memref_slice %arg3[%dma_wait3A_189, %dma_wait3A_190] : memref<8192x256xf32, #tpu.memory_space<hbm>> -> memref<8192x256xf32, #tpu.memory_space<hbm>>
    tpu.wait_indirect_dma semaphore(%arg26 : memref<!tpu.dma_semaphore, #tpu.memory_space<semaphore_mem>>) src(%dma_wait3A_191 : memref<8192x256xf32, #tpu.memory_space<hbm>>) dst(%arg12 : memref<32x256xf32, #tpu.memory_space<vmem>>)
    %add3A_192 = arith.constant 192 : i32
    %add3A_193 = arith.addi %mul3A_2, %add3A_192 : i32
    %dma_start3A_194 = arith.constant 0 : i32
    %dma_start3A_195 = tpu.memref_slice %arg4[%add3A_193, %dma_start3A_194] : memref<16384x256xf32, #tpu.memory_space<hbm>> -> memref<32x256xf32, #tpu.memory_space<hbm>>
    %dma_start3A_196 = arith.constant 0 : i32
    %dma_start3A_197 = tpu.memref_slice %arg4[%add3A_193, %dma_start3A_196] : memref<16384x256xf32, #tpu.memory_space<hbm>> -> memref<32x256xf32, #tpu.memory_space<hbm>>
    tpu.enqueue_dma source(%arg12 : memref<32x256xf32, #tpu.memory_space<vmem>>) target(%dma_start3A_197 : memref<32x256xf32, #tpu.memory_space<hbm>>) target_semaphore(%arg40 : memref<!tpu.dma_semaphore, #tpu.memory_space<semaphore_mem>>)
    %dma_wait3A_198 = arith.constant 224 : i32
    %dma_wait3A_199 = tpu.memref_slice %arg5[%dma_wait3A_198] : memref<512xi32, #tpu.memory_space<vmem>> -> memref<32xi32, #tpu.memory_space<vmem>>
    %dma_wait3A_200 = arith.constant 0 : i32
    %dma_wait3A_201 = arith.constant 0 : i32
    %dma_wait3A_202 = tpu.memref_slice %arg3[%dma_wait3A_200, %dma_wait3A_201] : memref<8192x256xf32, #tpu.memory_space<hbm>> -> memref<8192x256xf32, #tpu.memory_space<hbm>>
    tpu.wait_indirect_dma semaphore(%arg27 : memref<!tpu.dma_semaphore, #tpu.memory_space<semaphore_mem>>) src(%dma_wait3A_202 : memref<8192x256xf32, #tpu.memory_space<hbm>>) dst(%arg13 : memref<32x256xf32, #tpu.memory_space<vmem>>)
    %add3A_203 = arith.constant 224 : i32
    %add3A_204 = arith.addi %mul3A_2, %add3A_203 : i32
    %dma_start3A_205 = arith.constant 0 : i32
    %dma_start3A_206 = tpu.memref_slice %arg4[%add3A_204, %dma_start3A_205] : memref<16384x256xf32, #tpu.memory_space<hbm>> -> memref<32x256xf32, #tpu.memory_space<hbm>>
    %dma_start3A_207 = arith.constant 0 : i32
    %dma_start3A_208 = tpu.memref_slice %arg4[%add3A_204, %dma_start3A_207] : memref<16384x256xf32, #tpu.memory_space<hbm>> -> memref<32x256xf32, #tpu.memory_space<hbm>>
    tpu.enqueue_dma source(%arg13 : memref<32x256xf32, #tpu.memory_space<vmem>>) target(%dma_start3A_208 : memref<32x256xf32, #tpu.memory_space<hbm>>) target_semaphore(%arg41 : memref<!tpu.dma_semaphore, #tpu.memory_space<semaphore_mem>>)
    %dma_wait3A_209 = arith.constant 256 : i32
    %dma_wait3A_210 = tpu.memref_slice %arg5[%dma_wait3A_209] : memref<512xi32, #tpu.memory_space<vmem>> -> memref<32xi32, #tpu.memory_space<vmem>>
    %dma_wait3A_211 = arith.constant 0 : i32
    %dma_wait3A_212 = arith.constant 0 : i32
    %dma_wait3A_213 = tpu.memref_slice %arg3[%dma_wait3A_211, %dma_wait3A_212] : memref<8192x256xf32, #tpu.memory_space<hbm>> -> memref<8192x256xf32, #tpu.memory_space<hbm>>
    tpu.wait_indirect_dma semaphore(%arg28 : memref<!tpu.dma_semaphore, #tpu.memory_space<semaphore_mem>>) src(%dma_wait3A_213 : memref<8192x256xf32, #tpu.memory_space<hbm>>) dst(%arg14 : memref<32x256xf32, #tpu.memory_space<vmem>>)
    %add3A_214 = arith.constant 256 : i32
    %add3A_215 = arith.addi %mul3A_2, %add3A_214 : i32
    %dma_start3A_216 = arith.constant 0 : i32
    %dma_start3A_217 = tpu.memref_slice %arg4[%add3A_215, %dma_start3A_216] : memref<16384x256xf32, #tpu.memory_space<hbm>> -> memref<32x256xf32, #tpu.memory_space<hbm>>
    %dma_start3A_218 = arith.constant 0 : i32
    %dma_start3A_219 = tpu.memref_slice %arg4[%add3A_215, %dma_start3A_218] : memref<16384x256xf32, #tpu.memory_space<hbm>> -> memref<32x256xf32, #tpu.memory_space<hbm>>
    tpu.enqueue_dma source(%arg14 : memref<32x256xf32, #tpu.memory_space<vmem>>) target(%dma_start3A_219 : memref<32x256xf32, #tpu.memory_space<hbm>>) target_semaphore(%arg42 : memref<!tpu.dma_semaphore, #tpu.memory_space<semaphore_mem>>)
    %dma_wait3A_220 = arith.constant 288 : i32
    %dma_wait3A_221 = tpu.memref_slice %arg5[%dma_wait3A_220] : memref<512xi32, #tpu.memory_space<vmem>> -> memref<32xi32, #tpu.memory_space<vmem>>
    %dma_wait3A_222 = arith.constant 0 : i32
    %dma_wait3A_223 = arith.constant 0 : i32
    %dma_wait3A_224 = tpu.memref_slice %arg3[%dma_wait3A_222, %dma_wait3A_223] : memref<8192x256xf32, #tpu.memory_space<hbm>> -> memref<8192x256xf32, #tpu.memory_space<hbm>>
    tpu.wait_indirect_dma semaphore(%arg29 : memref<!tpu.dma_semaphore, #tpu.memory_space<semaphore_mem>>) src(%dma_wait3A_224 : memref<8192x256xf32, #tpu.memory_space<hbm>>) dst(%arg15 : memref<32x256xf32, #tpu.memory_space<vmem>>)
    %add3A_225 = arith.constant 288 : i32
    %add3A_226 = arith.addi %mul3A_2, %add3A_225 : i32
    %dma_start3A_227 = arith.constant 0 : i32
    %dma_start3A_228 = tpu.memref_slice %arg4[%add3A_226, %dma_start3A_227] : memref<16384x256xf32, #tpu.memory_space<hbm>> -> memref<32x256xf32, #tpu.memory_space<hbm>>
    %dma_start3A_229 = arith.constant 0 : i32
    %dma_start3A_230 = tpu.memref_slice %arg4[%add3A_226, %dma_start3A_229] : memref<16384x256xf32, #tpu.memory_space<hbm>> -> memref<32x256xf32, #tpu.memory_space<hbm>>
    tpu.enqueue_dma source(%arg15 : memref<32x256xf32, #tpu.memory_space<vmem>>) target(%dma_start3A_230 : memref<32x256xf32, #tpu.memory_space<hbm>>) target_semaphore(%arg43 : memref<!tpu.dma_semaphore, #tpu.memory_space<semaphore_mem>>)
    %dma_wait3A_231 = arith.constant 320 : i32
    %dma_wait3A_232 = tpu.memref_slice %arg5[%dma_wait3A_231] : memref<512xi32, #tpu.memory_space<vmem>> -> memref<32xi32, #tpu.memory_space<vmem>>
    %dma_wait3A_233 = arith.constant 0 : i32
    %dma_wait3A_234 = arith.constant 0 : i32
    %dma_wait3A_235 = tpu.memref_slice %arg3[%dma_wait3A_233, %dma_wait3A_234] : memref<8192x256xf32, #tpu.memory_space<hbm>> -> memref<8192x256xf32, #tpu.memory_space<hbm>>
    tpu.wait_indirect_dma semaphore(%arg30 : memref<!tpu.dma_semaphore, #tpu.memory_space<semaphore_mem>>) src(%dma_wait3A_235 : memref<8192x256xf32, #tpu.memory_space<hbm>>) dst(%arg16 : memref<32x256xf32, #tpu.memory_space<vmem>>)
    %add3A_236 = arith.constant 320 : i32
    %add3A_237 = arith.addi %mul3A_2, %add3A_236 : i32
    %dma_start3A_238 = arith.constant 0 : i32
    %dma_start3A_239 = tpu.memref_slice %arg4[%add3A_237, %dma_start3A_238] : memref<16384x256xf32, #tpu.memory_space<hbm>> -> memref<32x256xf32, #tpu.memory_space<hbm>>
    %dma_start3A_240 = arith.constant 0 : i32
    %dma_start3A_241 = tpu.memref_slice %arg4[%add3A_237, %dma_start3A_240] : memref<16384x256xf32, #tpu.memory_space<hbm>> -> memref<32x256xf32, #tpu.memory_space<hbm>>
    tpu.enqueue_dma source(%arg16 : memref<32x256xf32, #tpu.memory_space<vmem>>) target(%dma_start3A_241 : memref<32x256xf32, #tpu.memory_space<hbm>>) target_semaphore(%arg44 : memref<!tpu.dma_semaphore, #tpu.memory_space<semaphore_mem>>)
    %dma_wait3A_242 = arith.constant 352 : i32
    %dma_wait3A_243 = tpu.memref_slice %arg5[%dma_wait3A_242] : memref<512xi32, #tpu.memory_space<vmem>> -> memref<32xi32, #tpu.memory_space<vmem>>
    %dma_wait3A_244 = arith.constant 0 : i32
    %dma_wait3A_245 = arith.constant 0 : i32
    %dma_wait3A_246 = tpu.memref_slice %arg3[%dma_wait3A_244, %dma_wait3A_245] : memref<8192x256xf32, #tpu.memory_space<hbm>> -> memref<8192x256xf32, #tpu.memory_space<hbm>>
    tpu.wait_indirect_dma semaphore(%arg31 : memref<!tpu.dma_semaphore, #tpu.memory_space<semaphore_mem>>) src(%dma_wait3A_246 : memref<8192x256xf32, #tpu.memory_space<hbm>>) dst(%arg17 : memref<32x256xf32, #tpu.memory_space<vmem>>)
    %add3A_247 = arith.constant 352 : i32
    %add3A_248 = arith.addi %mul3A_2, %add3A_247 : i32
    %dma_start3A_249 = arith.constant 0 : i32
    %dma_start3A_250 = tpu.memref_slice %arg4[%add3A_248, %dma_start3A_249] : memref<16384x256xf32, #tpu.memory_space<hbm>> -> memref<32x256xf32, #tpu.memory_space<hbm>>
    %dma_start3A_251 = arith.constant 0 : i32
    %dma_start3A_252 = tpu.memref_slice %arg4[%add3A_248, %dma_start3A_251] : memref<16384x256xf32, #tpu.memory_space<hbm>> -> memref<32x256xf32, #tpu.memory_space<hbm>>
    tpu.enqueue_dma source(%arg17 : memref<32x256xf32, #tpu.memory_space<vmem>>) target(%dma_start3A_252 : memref<32x256xf32, #tpu.memory_space<hbm>>) target_semaphore(%arg45 : memref<!tpu.dma_semaphore, #tpu.memory_space<semaphore_mem>>)
    %dma_wait3A_253 = arith.constant 384 : i32
    %dma_wait3A_254 = tpu.memref_slice %arg5[%dma_wait3A_253] : memref<512xi32, #tpu.memory_space<vmem>> -> memref<32xi32, #tpu.memory_space<vmem>>
    %dma_wait3A_255 = arith.constant 0 : i32
    %dma_wait3A_256 = arith.constant 0 : i32
    %dma_wait3A_257 = tpu.memref_slice %arg3[%dma_wait3A_255, %dma_wait3A_256] : memref<8192x256xf32, #tpu.memory_space<hbm>> -> memref<8192x256xf32, #tpu.memory_space<hbm>>
    tpu.wait_indirect_dma semaphore(%arg32 : memref<!tpu.dma_semaphore, #tpu.memory_space<semaphore_mem>>) src(%dma_wait3A_257 : memref<8192x256xf32, #tpu.memory_space<hbm>>) dst(%arg18 : memref<32x256xf32, #tpu.memory_space<vmem>>)
    %add3A_258 = arith.constant 384 : i32
    %add3A_259 = arith.addi %mul3A_2, %add3A_258 : i32
    %dma_start3A_260 = arith.constant 0 : i32
    %dma_start3A_261 = tpu.memref_slice %arg4[%add3A_259, %dma_start3A_260] : memref<16384x256xf32, #tpu.memory_space<hbm>> -> memref<32x256xf32, #tpu.memory_space<hbm>>
    %dma_start3A_262 = arith.constant 0 : i32
    %dma_start3A_263 = tpu.memref_slice %arg4[%add3A_259, %dma_start3A_262] : memref<16384x256xf32, #tpu.memory_space<hbm>> -> memref<32x256xf32, #tpu.memory_space<hbm>>
    tpu.enqueue_dma source(%arg18 : memref<32x256xf32, #tpu.memory_space<vmem>>) target(%dma_start3A_263 : memref<32x256xf32, #tpu.memory_space<hbm>>) target_semaphore(%arg46 : memref<!tpu.dma_semaphore, #tpu.memory_space<semaphore_mem>>)
    %dma_wait3A_264 = arith.constant 416 : i32
    %dma_wait3A_265 = tpu.memref_slice %arg5[%dma_wait3A_264] : memref<512xi32, #tpu.memory_space<vmem>> -> memref<32xi32, #tpu.memory_space<vmem>>
    %dma_wait3A_266 = arith.constant 0 : i32
    %dma_wait3A_267 = arith.constant 0 : i32
    %dma_wait3A_268 = tpu.memref_slice %arg3[%dma_wait3A_266, %dma_wait3A_267] : memref<8192x256xf32, #tpu.memory_space<hbm>> -> memref<8192x256xf32, #tpu.memory_space<hbm>>
    tpu.wait_indirect_dma semaphore(%arg33 : memref<!tpu.dma_semaphore, #tpu.memory_space<semaphore_mem>>) src(%dma_wait3A_268 : memref<8192x256xf32, #tpu.memory_space<hbm>>) dst(%arg19 : memref<32x256xf32, #tpu.memory_space<vmem>>)
    %add3A_269 = arith.constant 416 : i32
    %add3A_270 = arith.addi %mul3A_2, %add3A_269 : i32
    %dma_start3A_271 = arith.constant 0 : i32
    %dma_start3A_272 = tpu.memref_slice %arg4[%add3A_270, %dma_start3A_271] : memref<16384x256xf32, #tpu.memory_space<hbm>> -> memref<32x256xf32, #tpu.memory_space<hbm>>
    %dma_start3A_273 = arith.constant 0 : i32
    %dma_start3A_274 = tpu.memref_slice %arg4[%add3A_270, %dma_start3A_273] : memref<16384x256xf32, #tpu.memory_space<hbm>> -> memref<32x256xf32, #tpu.memory_space<hbm>>
    tpu.enqueue_dma source(%arg19 : memref<32x256xf32, #tpu.memory_space<vmem>>) target(%dma_start3A_274 : memref<32x256xf32, #tpu.memory_space<hbm>>) target_semaphore(%arg47 : memref<!tpu.dma_semaphore, #tpu.memory_space<semaphore_mem>>)
    %dma_wait3A_275 = arith.constant 448 : i32
    %dma_wait3A_276 = tpu.memref_slice %arg5[%dma_wait3A_275] : memref<512xi32, #tpu.memory_space<vmem>> -> memref<32xi32, #tpu.memory_space<vmem>>
    %dma_wait3A_277 = arith.constant 0 : i32
    %dma_wait3A_278 = arith.constant 0 : i32
    %dma_wait3A_279 = tpu.memref_slice %arg3[%dma_wait3A_277, %dma_wait3A_278] : memref<8192x256xf32, #tpu.memory_space<hbm>> -> memref<8192x256xf32, #tpu.memory_space<hbm>>
    tpu.wait_indirect_dma semaphore(%arg20 : memref<!tpu.dma_semaphore, #tpu.memory_space<semaphore_mem>>) src(%dma_wait3A_279 : memref<8192x256xf32, #tpu.memory_space<hbm>>) dst(%arg6 : memref<32x256xf32, #tpu.memory_space<vmem>>)
    %add3A_280 = arith.constant 448 : i32
    %add3A_281 = arith.addi %mul3A_2, %add3A_280 : i32
    %dma_start3A_282 = arith.constant 0 : i32
    %dma_start3A_283 = tpu.memref_slice %arg4[%add3A_281, %dma_start3A_282] : memref<16384x256xf32, #tpu.memory_space<hbm>> -> memref<32x256xf32, #tpu.memory_space<hbm>>
    %dma_start3A_284 = arith.constant 0 : i32
    %dma_start3A_285 = tpu.memref_slice %arg4[%add3A_281, %dma_start3A_284] : memref<16384x256xf32, #tpu.memory_space<hbm>> -> memref<32x256xf32, #tpu.memory_space<hbm>>
    tpu.enqueue_dma source(%arg6 : memref<32x256xf32, #tpu.memory_space<vmem>>) target(%dma_start3A_285 : memref<32x256xf32, #tpu.memory_space<hbm>>) target_semaphore(%arg34 : memref<!tpu.dma_semaphore, #tpu.memory_space<semaphore_mem>>)
    %dma_wait3A_286 = arith.constant 480 : i32
    %dma_wait3A_287 = tpu.memref_slice %arg5[%dma_wait3A_286] : memref<512xi32, #tpu.memory_space<vmem>> -> memref<32xi32, #tpu.memory_space<vmem>>
    %dma_wait3A_288 = arith.constant 0 : i32
    %dma_wait3A_289 = arith.constant 0 : i32
    %dma_wait3A_290 = tpu.memref_slice %arg3[%dma_wait3A_288, %dma_wait3A_289] : memref<8192x256xf32, #tpu.memory_space<hbm>> -> memref<8192x256xf32, #tpu.memory_space<hbm>>
    tpu.wait_indirect_dma semaphore(%arg21 : memref<!tpu.dma_semaphore, #tpu.memory_space<semaphore_mem>>) src(%dma_wait3A_290 : memref<8192x256xf32, #tpu.memory_space<hbm>>) dst(%arg7 : memref<32x256xf32, #tpu.memory_space<vmem>>)
    %add3A_291 = arith.constant 480 : i32
    %add3A_292 = arith.addi %mul3A_2, %add3A_291 : i32
    %dma_start3A_293 = arith.constant 0 : i32
    %dma_start3A_294 = tpu.memref_slice %arg4[%add3A_292, %dma_start3A_293] : memref<16384x256xf32, #tpu.memory_space<hbm>> -> memref<32x256xf32, #tpu.memory_space<hbm>>
    %dma_start3A_295 = arith.constant 0 : i32
    %dma_start3A_296 = tpu.memref_slice %arg4[%add3A_292, %dma_start3A_295] : memref<16384x256xf32, #tpu.memory_space<hbm>> -> memref<32x256xf32, #tpu.memory_space<hbm>>
    tpu.enqueue_dma source(%arg7 : memref<32x256xf32, #tpu.memory_space<vmem>>) target(%dma_start3A_296 : memref<32x256xf32, #tpu.memory_space<hbm>>) target_semaphore(%arg35 : memref<!tpu.dma_semaphore, #tpu.memory_space<semaphore_mem>>)
    %dma_wait3A_297 = arith.constant 0 : i32
    %dma_wait3A_298 = tpu.memref_slice %arg4[%add3A_281, %dma_wait3A_297] : memref<16384x256xf32, #tpu.memory_space<hbm>> -> memref<32x256xf32, #tpu.memory_space<hbm>>
    %dma_wait3A_299 = arith.constant 0 : i32
    %dma_wait3A_300 = tpu.memref_slice %arg4[%add3A_281, %dma_wait3A_299] : memref<16384x256xf32, #tpu.memory_space<hbm>> -> memref<32x256xf32, #tpu.memory_space<hbm>>
    tpu.wait_dma2 semaphore(%arg34 : memref<!tpu.dma_semaphore, #tpu.memory_space<semaphore_mem>>) src(%arg6 : memref<32x256xf32, #tpu.memory_space<vmem>>) dst(%dma_wait3A_300 : memref<32x256xf32, #tpu.memory_space<hbm>>)
    %dma_wait3A_301 = arith.constant 0 : i32
    %dma_wait3A_302 = tpu.memref_slice %arg4[%add3A_292, %dma_wait3A_301] : memref<16384x256xf32, #tpu.memory_space<hbm>> -> memref<32x256xf32, #tpu.memory_space<hbm>>
    %dma_wait3A_303 = arith.constant 0 : i32
    %dma_wait3A_304 = tpu.memref_slice %arg4[%add3A_292, %dma_wait3A_303] : memref<16384x256xf32, #tpu.memory_space<hbm>> -> memref<32x256xf32, #tpu.memory_space<hbm>>
    tpu.wait_dma2 semaphore(%arg35 : memref<!tpu.dma_semaphore, #tpu.memory_space<semaphore_mem>>) src(%arg7 : memref<32x256xf32, #tpu.memory_space<vmem>>) dst(%dma_wait3A_304 : memref<32x256xf32, #tpu.memory_space<hbm>>)
    %dma_wait3A_305 = arith.constant 0 : i32
    %dma_wait3A_306 = tpu.memref_slice %arg4[%add3A_140, %dma_wait3A_305] : memref<16384x256xf32, #tpu.memory_space<hbm>> -> memref<32x256xf32, #tpu.memory_space<hbm>>
    %dma_wait3A_307 = arith.constant 0 : i32
    %dma_wait3A_308 = tpu.memref_slice %arg4[%add3A_140, %dma_wait3A_307] : memref<16384x256xf32, #tpu.memory_space<hbm>> -> memref<32x256xf32, #tpu.memory_space<hbm>>
    tpu.wait_dma2 semaphore(%arg36 : memref<!tpu.dma_semaphore, #tpu.memory_space<semaphore_mem>>) src(%arg8 : memref<32x256xf32, #tpu.memory_space<vmem>>) dst(%dma_wait3A_308 : memref<32x256xf32, #tpu.memory_space<hbm>>)
    %dma_wait3A_309 = arith.constant 0 : i32
    %dma_wait3A_310 = tpu.memref_slice %arg4[%add3A_160, %dma_wait3A_309] : memref<16384x256xf32, #tpu.memory_space<hbm>> -> memref<32x256xf32, #tpu.memory_space<hbm>>
    %dma_wait3A_311 = arith.constant 0 : i32
    %dma_wait3A_312 = tpu.memref_slice %arg4[%add3A_160, %dma_wait3A_311] : memref<16384x256xf32, #tpu.memory_space<hbm>> -> memref<32x256xf32, #tpu.memory_space<hbm>>
    tpu.wait_dma2 semaphore(%arg37 : memref<!tpu.dma_semaphore, #tpu.memory_space<semaphore_mem>>) src(%arg9 : memref<32x256xf32, #tpu.memory_space<vmem>>) dst(%dma_wait3A_312 : memref<32x256xf32, #tpu.memory_space<hbm>>)
    %dma_wait3A_313 = arith.constant 0 : i32
    %dma_wait3A_314 = tpu.memref_slice %arg4[%add3A_171, %dma_wait3A_313] : memref<16384x256xf32, #tpu.memory_space<hbm>> -> memref<32x256xf32, #tpu.memory_space<hbm>>
    %dma_wait3A_315 = arith.constant 0 : i32
    %dma_wait3A_316 = tpu.memref_slice %arg4[%add3A_171, %dma_wait3A_315] : memref<16384x256xf32, #tpu.memory_space<hbm>> -> memref<32x256xf32, #tpu.memory_space<hbm>>
    tpu.wait_dma2 semaphore(%arg38 : memref<!tpu.dma_semaphore, #tpu.memory_space<semaphore_mem>>) src(%arg10 : memref<32x256xf32, #tpu.memory_space<vmem>>) dst(%dma_wait3A_316 : memref<32x256xf32, #tpu.memory_space<hbm>>)
    %dma_wait3A_317 = arith.constant 0 : i32
    %dma_wait3A_318 = tpu.memref_slice %arg4[%add3A_182, %dma_wait3A_317] : memref<16384x256xf32, #tpu.memory_space<hbm>> -> memref<32x256xf32, #tpu.memory_space<hbm>>
    %dma_wait3A_319 = arith.constant 0 : i32
    %dma_wait3A_320 = tpu.memref_slice %arg4[%add3A_182, %dma_wait3A_319] : memref<16384x256xf32, #tpu.memory_space<hbm>> -> memref<32x256xf32, #tpu.memory_space<hbm>>
    tpu.wait_dma2 semaphore(%arg39 : memref<!tpu.dma_semaphore, #tpu.memory_space<semaphore_mem>>) src(%arg11 : memref<32x256xf32, #tpu.memory_space<vmem>>) dst(%dma_wait3A_320 : memref<32x256xf32, #tpu.memory_space<hbm>>)
    %dma_wait3A_321 = arith.constant 0 : i32
    %dma_wait3A_322 = tpu.memref_slice %arg4[%add3A_193, %dma_wait3A_321] : memref<16384x256xf32, #tpu.memory_space<hbm>> -> memref<32x256xf32, #tpu.memory_space<hbm>>
    %dma_wait3A_323 = arith.constant 0 : i32
    %dma_wait3A_324 = tpu.memref_slice %arg4[%add3A_193, %dma_wait3A_323] : memref<16384x256xf32, #tpu.memory_space<hbm>> -> memref<32x256xf32, #tpu.memory_space<hbm>>
    tpu.wait_dma2 semaphore(%arg40 : memref<!tpu.dma_semaphore, #tpu.memory_space<semaphore_mem>>) src(%arg12 : memref<32x256xf32, #tpu.memory_space<vmem>>) dst(%dma_wait3A_324 : memref<32x256xf32, #tpu.memory_space<hbm>>)
    %dma_wait3A_325 = arith.constant 0 : i32
    %dma_wait3A_326 = tpu.memref_slice %arg4[%add3A_204, %dma_wait3A_325] : memref<16384x256xf32, #tpu.memory_space<hbm>> -> memref<32x256xf32, #tpu.memory_space<hbm>>
    %dma_wait3A_327 = arith.constant 0 : i32
    %dma_wait3A_328 = tpu.memref_slice %arg4[%add3A_204, %dma_wait3A_327] : memref<16384x256xf32, #tpu.memory_space<hbm>> -> memref<32x256xf32, #tpu.memory_space<hbm>>
    tpu.wait_dma2 semaphore(%arg41 : memref<!tpu.dma_semaphore, #tpu.memory_space<semaphore_mem>>) src(%arg13 : memref<32x256xf32, #tpu.memory_space<vmem>>) dst(%dma_wait3A_328 : memref<32x256xf32, #tpu.memory_space<hbm>>)
    %dma_wait3A_329 = arith.constant 0 : i32
    %dma_wait3A_330 = tpu.memref_slice %arg4[%add3A_215, %dma_wait3A_329] : memref<16384x256xf32, #tpu.memory_space<hbm>> -> memref<32x256xf32, #tpu.memory_space<hbm>>
    %dma_wait3A_331 = arith.constant 0 : i32
    %dma_wait3A_332 = tpu.memref_slice %arg4[%add3A_215, %dma_wait3A_331] : memref<16384x256xf32, #tpu.memory_space<hbm>> -> memref<32x256xf32, #tpu.memory_space<hbm>>
    tpu.wait_dma2 semaphore(%arg42 : memref<!tpu.dma_semaphore, #tpu.memory_space<semaphore_mem>>) src(%arg14 : memref<32x256xf32, #tpu.memory_space<vmem>>) dst(%dma_wait3A_332 : memref<32x256xf32, #tpu.memory_space<hbm>>)
    %dma_wait3A_333 = arith.constant 0 : i32
    %dma_wait3A_334 = tpu.memref_slice %arg4[%add3A_226, %dma_wait3A_333] : memref<16384x256xf32, #tpu.memory_space<hbm>> -> memref<32x256xf32, #tpu.memory_space<hbm>>
    %dma_wait3A_335 = arith.constant 0 : i32
    %dma_wait3A_336 = tpu.memref_slice %arg4[%add3A_226, %dma_wait3A_335] : memref<16384x256xf32, #tpu.memory_space<hbm>> -> memref<32x256xf32, #tpu.memory_space<hbm>>
    tpu.wait_dma2 semaphore(%arg43 : memref<!tpu.dma_semaphore, #tpu.memory_space<semaphore_mem>>) src(%arg15 : memref<32x256xf32, #tpu.memory_space<vmem>>) dst(%dma_wait3A_336 : memref<32x256xf32, #tpu.memory_space<hbm>>)
    %dma_wait3A_337 = arith.constant 0 : i32
    %dma_wait3A_338 = tpu.memref_slice %arg4[%add3A_237, %dma_wait3A_337] : memref<16384x256xf32, #tpu.memory_space<hbm>> -> memref<32x256xf32, #tpu.memory_space<hbm>>
    %dma_wait3A_339 = arith.constant 0 : i32
    %dma_wait3A_340 = tpu.memref_slice %arg4[%add3A_237, %dma_wait3A_339] : memref<16384x256xf32, #tpu.memory_space<hbm>> -> memref<32x256xf32, #tpu.memory_space<hbm>>
    tpu.wait_dma2 semaphore(%arg44 : memref<!tpu.dma_semaphore, #tpu.memory_space<semaphore_mem>>) src(%arg16 : memref<32x256xf32, #tpu.memory_space<vmem>>) dst(%dma_wait3A_340 : memref<32x256xf32, #tpu.memory_space<hbm>>)
    %dma_wait3A_341 = arith.constant 0 : i32
    %dma_wait3A_342 = tpu.memref_slice %arg4[%add3A_248, %dma_wait3A_341] : memref<16384x256xf32, #tpu.memory_space<hbm>> -> memref<32x256xf32, #tpu.memory_space<hbm>>
    %dma_wait3A_343 = arith.constant 0 : i32
    %dma_wait3A_344 = tpu.memref_slice %arg4[%add3A_248, %dma_wait3A_343] : memref<16384x256xf32, #tpu.memory_space<hbm>> -> memref<32x256xf32, #tpu.memory_space<hbm>>
    tpu.wait_dma2 semaphore(%arg45 : memref<!tpu.dma_semaphore, #tpu.memory_space<semaphore_mem>>) src(%arg17 : memref<32x256xf32, #tpu.memory_space<vmem>>) dst(%dma_wait3A_344 : memref<32x256xf32, #tpu.memory_space<hbm>>)
    %dma_wait3A_345 = arith.constant 0 : i32
    %dma_wait3A_346 = tpu.memref_slice %arg4[%add3A_259, %dma_wait3A_345] : memref<16384x256xf32, #tpu.memory_space<hbm>> -> memref<32x256xf32, #tpu.memory_space<hbm>>
    %dma_wait3A_347 = arith.constant 0 : i32
    %dma_wait3A_348 = tpu.memref_slice %arg4[%add3A_259, %dma_wait3A_347] : memref<16384x256xf32, #tpu.memory_space<hbm>> -> memref<32x256xf32, #tpu.memory_space<hbm>>
    tpu.wait_dma2 semaphore(%arg46 : memref<!tpu.dma_semaphore, #tpu.memory_space<semaphore_mem>>) src(%arg18 : memref<32x256xf32, #tpu.memory_space<vmem>>) dst(%dma_wait3A_348 : memref<32x256xf32, #tpu.memory_space<hbm>>)
    %dma_wait3A_349 = arith.constant 0 : i32
    %dma_wait3A_350 = tpu.memref_slice %arg4[%add3A_270, %dma_wait3A_349] : memref<16384x256xf32, #tpu.memory_space<hbm>> -> memref<32x256xf32, #tpu.memory_space<hbm>>
    %dma_wait3A_351 = arith.constant 0 : i32
    %dma_wait3A_352 = tpu.memref_slice %arg4[%add3A_270, %dma_wait3A_351] : memref<16384x256xf32, #tpu.memory_space<hbm>> -> memref<32x256xf32, #tpu.memory_space<hbm>>
    tpu.wait_dma2 semaphore(%arg47 : memref<!tpu.dma_semaphore, #tpu.memory_space<semaphore_mem>>) src(%arg19 : memref<32x256xf32, #tpu.memory_space<vmem>>) dst(%dma_wait3A_352 : memref<32x256xf32, #tpu.memory_space<hbm>>)
    return
  }
}

module attributes {stable_mosaic.version = 14 : i64} {
  func.func @mm(%arg0: i32, %arg1: memref<64x4096xf32, #tpu.memory_space<vmem>>, %arg2: memref<64x256xf32, #tpu.memory_space<vmem>>, %arg3: memref<1x256xf32, #tpu.memory_space<vmem>>, %arg4: memref<4096x256xf32, #tpu.memory_space<vmem>>) attributes {dimension_semantics = [#tpu.dimension_semantics<arbitrary>], iteration_bounds = array<i64: 2>, scalar_prefetch = 0 : i64, scratch_operands = 0 : i64, tpu.core_type = #tpu.core_type<tc>, window_params = [{transform_indices = @transform_0, window_bounds = array<i64: 64, 4096>}, {pipeline_mode = #tpu.pipeline_mode<synchronous>, transform_indices = @transform_1, window_bounds = array<i64: 64, 256>}, {pipeline_mode = #tpu.pipeline_mode<synchronous>, transform_indices = @transform_2, window_bounds = array<i64: 1, 256>}, {transform_indices = @transform_3, window_bounds = array<i64: 4096, 256>}]} {
    %get3A = arith.constant 0 : index
    %get3A_0 = arith.constant 0 : index
    %get3A_1 = vector.load %arg1[%get3A, %get3A_0] : memref<64x4096xf32, #tpu.memory_space<vmem>>, vector<64x4096xf32>
    %get3A_2 = arith.constant 0 : index
    %get3A_3 = arith.constant 0 : index
    %get3A_4 = vector.load %arg2[%get3A_2, %get3A_3] : memref<64x256xf32, #tpu.memory_space<vmem>>, vector<64x256xf32>
    %dot_general3A = arith.constant dense<0.000000e+00> : vector<4096x256xf32>
    %dot_general3A_5 = tpu.matmul %get3A_1, %get3A_4, %dot_general3A {dimension_numbers = #tpu.dot_dimension_numbers<[0], [0], [1], [1], [0, 1, 1, 1], [], []>, transpose_lhs_hint = false} : vector<64x4096xf32>, vector<64x256xf32>, vector<4096x256xf32> -> vector<4096x256xf32>
    %get3A_6 = arith.constant 0 : index
    %get3A_7 = arith.constant 0 : index
    %get3A_8 = vector.load %arg3[%get3A_6, %get3A_7] : memref<1x256xf32, #tpu.memory_space<vmem>>, vector<1x256xf32>
    %add3A = vector.broadcast %get3A_8 : vector<1x256xf32> to vector<4096x256xf32>
    %add3A_9 = arith.addf %dot_general3A_5, %add3A : vector<4096x256xf32>
    %swap3A = arith.constant 0 : index
    %swap3A_10 = arith.constant 0 : index
    %swap3A_11 = vector.load %arg4[%swap3A, %swap3A_10] : memref<4096x256xf32, #tpu.memory_space<vmem>>, vector<4096x256xf32>
    tpu.vector_store %arg4[%swap3A, %swap3A_10], %add3A_9 {strides = array<i32>} : memref<4096x256xf32, #tpu.memory_space<vmem>>, vector<4096x256xf32>,
    return
  }
  func.func @transform_0(%arg0: i32) -> (i32, i32) {
    %c0_i32 = arith.constant 0 : i32
    %c0_i32_0 = arith.constant 0 : i32
    return %c0_i32, %arg0 : i32, i32
  }
  func.func @transform_1(%arg0: i32) -> (i32, i32) {
    %c0_i32 = arith.constant 0 : i32
    %c0_i32_0 = arith.constant 0 : i32
    %c0_i32_1 = arith.constant 0 : i32
    return %c0_i32, %c0_i32_0 : i32, i32
  }
  func.func @transform_2(%arg0: i32) -> (i32, i32) {
    %c0_i32 = arith.constant 0 : i32
    %c0_i32_0 = arith.constant 0 : i32
    %c0_i32_1 = arith.constant 0 : i32
    return %c0_i32, %c0_i32_0 : i32, i32
  }
  func.func @transform_3(%arg0: i32) -> (i32, i32) {
    %c0_i32 = arith.constant 0 : i32
    %c0_i32_0 = arith.constant 0 : i32
    return %arg0, %c0_i32 : i32, i32
  }
}

</mosaic_0001>

<sc_bundles>
// kernel: kernel.4.cloned.1.call-start
scs
__scs_entry_jumppad:
0x0: {  	(pc) =	sbr.rel $0x88, $3  }
0x1: {  	(tag) =	ssettag $0x0;
	lr =	simm.s32 $0x1  }
0x2: {  	[smem:$0x3F9D] =	sst lr;
	_ =	strace $0xD0000000  }
0x3: {  	_ = 	snop  }
0x4: {  	_ = 	snop  }
0x5: {  	_ = 	snop  }
0x6: {  	_ = 	snop  }
0x7: {  	_ = 	snop  }
__scs_overlays_trampoline_lowered:
0x8: {  	[smem:$0x3FAC] =	sst s0  }
0x9: {  	[smem:$0x3FAD] =	sst s1  }
0xa: {  	[smem:$0x3FAE] =	sst s2  }
0xb: {  	[smem:$0x3FAF] =	sst s3  }
0xc: {  	[smem:$0x3FB0] =	sst s4  }
0xd: {  	[smem:$0x3FB1] =	sst s5  }
0xe: {  	[smem:$0x3FB2] =	sst s6  }
0xf: {  	[smem:$0x3FB3] =	sst s7  }
0x10: {  	[smem:$0x3FB4] =	sst s8  }
0x11: {  	[smem:$0x3FB5] =	sst s9;
	s0 =	simm.s32 @!p0 $0x0  }
0x12: {  	s1 =	sld [smem:$0x3F9B];
	s0 =	simm.s32 @p0 $0x1  }
0x13: {  	[smem:$0x3FB6] =	sst s0;
	s0 =	simm.s32 @!p1 $0x0  }
0x14: {  	s2 =	sld [smem:$0x3F9A];
	s0 =	simm.s32 @p1 $0x1  }
0x15: {  	[smem:$0x3FB7] =	sst s0;
	s0 =	simm.s32 @!p2 $0x0  }
0x16: {  	s3 =	sld [smem:$0x3FDB];
	s0 =	simm.s32 @p2 $0x1  }
0x17: {  	s4 =	simm.s32 $0x1BF5;
	[smem:$0x3FB9] =	sst s0  }
0x18: {  	s0 =	sld [smem:$0x3F9C];
	_ =	swait.ge [sflag:s4], $0x0  }
0x19: {  	s7 =	sld [smem:$0x3F9D]  }
0x1a: {  	s8 =	sadd.s32 $0xFFFFE003, lr  }
0x1b: {  	s9 =	sadd.s32 $0xFFFFFEF7, lr;
	s5 =	simm.s32 $0xFFFFFFFF;
	p2 =	slt.u32 s8, $0xFFFFF086  }
0x1c: {  	p1 =	slt.u32 s9, $0xF7A;
	s5 =	simm.s32 @!p2 $0x0  }
0x1d: {  	s5 =	simm.s32 @p1 $0x1;
	p0 =	seq.s32 s7, s2  }
0x1e: {  	s7 =	smul.u32 @!p0 $0xF7A, s2;
	p2 =	seq.s32 @!p0 s5, $0x0  }
0x1f: {  	s9 =	smul.u32 $0xF7A, s1;
	s8 =	simm.s32 @!p0 $0x1BF5;
	p2 =	por !p2, p0  }
0x20: {  	[sflag:s8] =	ssyncset.s32 @!p0 $0xFFFFF086;
	s6 =	sadd.s32 @!p0 s3, s7;
	s7 =	simm.s32 @!p0 $0x108  }
0x21: {  	s3 =	sadd.s32 s3, s9;
	s6 =	sadd.s32 @!p0 $0x88, s6;
	s7 =	simm.s32 @p2 $0x1082  }
0x22: {  	[simem:s7], [sflag:s8] =	dma.local @!p0 [hbm:s6], $0xF7A  }
0x23: {  	s9 =	sor.u32 $0xD0000000, s2;
	s6 =	simm.s32 $0x108;
	_ =	swait.ge @!p0 [sflag:s8], $0x0  }
0x24: {  	s3 =	sadd.s32 $0x88, s3;
	s6 =	simm.s32 @!p1 $0x1082;
	[sflag:s4] =	ssyncset.s32 $0xFFFFF086  }
0x25: {  	[simem:s6], [sflag:s4] =	dma.local [hbm:s3], $0xF7A  }
0x26: {  	[smem:$0x3F9D] =	sst s1;
	(tag) =	ssettag s2;
	_ =	strace s9  }
0x27: {  	s1 =	sld [smem:$0x3FAD]  }
0x28: {  	s2 =	sld [smem:$0x3FAE]  }
0x29: {  	s4 =	sld [smem:$0x3FB0]  }
0x2a: {  	p0 =	seq.s32 s5, $0x0;
	s5 =	sld [smem:$0x3FB1]  }
0x2b: {  	s6 =	sld [smem:$0x3FB2]  }
0x2c: {  	s7 =	sld [smem:$0x3FB3]  }
0x2d: {  	s3 =	simm.s32 $0x108;
	s8 =	sld [smem:$0x3FB4]  }
0x2e: {  	s3 =	simm.s32 @!p0 $0x1082;
	s9 =	sld [smem:$0x3FB5]  }
0x2f: {  	lr =	sadd.s32 s0, s3;
	s0 =	sld [smem:$0x3FAC]  }
0x30: {  	s3 =	sld [smem:$0x3FAF]  }
0x31: {  	[smem:$0x3FB8] =	sst s10  }
0x32: {  	s10 =	sld [smem:$0x3FB6];
	_ =	sdelay $0x3  }
0x33: {  	p0 =	seq.s32 s10, $0x1;
	s10 =	sld [smem:$0x3FB8];
	_ =	sdelay $0x3  }
0x34: {  	[smem:$0x3FB8] =	sst s10  }
0x35: {  	s10 =	sld [smem:$0x3FB7];
	_ =	sdelay $0x3  }
0x36: {  	p1 =	seq.s32 s10, $0x1;
	s10 =	sld [smem:$0x3FB8];
	_ =	sdelay $0x3  }
0x37: {  	[smem:$0x3FB8] =	sst s10  }
0x38: {  	s10 =	sld [smem:$0x3FB9]  }
0x39: {  	_ = 	snop;
	(pc) =	sbr.ind lr, $3  }
0x3a: {  	_ = 	snop  }
0x3b: {  	_ = 	snop  }
0x3c: {  	p2 =	seq.s32 s10, $0x1;
	s10 =	sld [smem:$0x3FB8]  }
0x3d: {  	_ =	shalt  }
0x3e: {  	_ =	shalt  }
0x3f: {  	_ =	shalt  }
0x40: {  	_ =	shalt  }
0x41: {  	_ =	shalt  }
0x42: {  	_ =	shalt  }
0x43: {  	_ =	shalt  }
0x44: {  	_ =	shalt  }
0x45: {  	_ =	shalt  }
0x46: {  	_ =	shalt  }
0x47: {  	_ =	shalt  }
0x48: {  	_ =	shalt  }
0x49: {  	_ =	shalt  }
0x4a: {  	_ =	shalt  }
0x4b: {  	_ =	shalt  }
0x4c: {  	_ =	shalt  }
0x4d: {  	_ =	shalt  }
0x4e: {  	_ =	shalt  }
0x4f: {  	_ =	shalt  }
0x50: {  	_ =	shalt  }
0x51: {  	_ =	shalt  }
0x52: {  	_ =	shalt  }
0x53: {  	_ =	shalt  }
0x54: {  	_ =	shalt  }
0x55: {  	_ =	shalt  }
0x56: {  	_ =	shalt  }
0x57: {  	_ =	shalt  }
0x58: {  	_ =	shalt  }
0x59: {  	_ =	shalt  }
0x5a: {  	_ =	shalt  }
0x5b: {  	_ =	shalt  }
0x5c: {  	_ =	shalt  }
0x5d: {  	_ =	shalt  }
0x5e: {  	_ =	shalt  }
0x5f: {  	_ =	shalt  }
0x60: {  	_ =	shalt  }
0x61: {  	_ =	shalt  }
0x62: {  	_ =	shalt  }
0x63: {  	_ =	shalt  }
0x64: {  	_ =	shalt  }
0x65: {  	_ =	shalt  }
0x66: {  	_ =	shalt  }
0x67: {  	_ =	shalt  }
0x68: {  	_ =	shalt  }
0x69: {  	_ =	shalt  }
0x6a: {  	_ =	shalt  }
0x6b: {  	_ =	shalt  }
0x6c: {  	_ =	shalt  }
0x6d: {  	_ =	shalt  }
0x6e: {  	_ =	shalt  }
0x6f: {  	_ =	shalt  }
0x70: {  	_ =	shalt  }
0x71: {  	_ =	shalt  }
0x72: {  	_ =	shalt  }
0x73: {  	_ =	shalt  }
0x74: {  	_ =	shalt  }
0x75: {  	_ =	shalt  }
0x76: {  	_ =	shalt  }
0x77: {  	_ =	shalt  }
0x78: {  	_ =	shalt  }
0x79: {  	_ =	shalt  }
0x7a: {  	_ =	shalt  }
0x7b: {  	_ =	shalt  }
0x7c: {  	_ =	shalt  }
0x7d: {  	_ =	shalt  }
0x7e: {  	_ =	shalt  }
0x7f: {  	_ =	shalt  }
0x80: {  	_ =	shalt  }
0x81: {  	_ =	shalt  }
0x82: {  	_ =	shalt  }
0x83: {  	_ =	shalt  }
0x84: {  	_ =	shalt  }
0x85: {  	_ =	shalt  }
0x86: {  	_ =	shalt  }
0x87: {  	_ =	shalt  }
.Lfunc_end0:
.L_simem_size_0:
called_computation_lowered:
.L_overlay_start_0:
0x88: {  	s2 =	sld [smem:$0x3FD9]  }
0x89: {  	s3 =	sld [smem:$0x3FFE];
	_ =	sdelay $0x1  }
0x8a: {  	s1 =	srdreg.scid  }
0x8b: {  	s0 =	sand.u32 $0x1, s1  }
0x8c: {  	s17 =	sshll.u32 s0, $0xA;
	s2 =	sadd.s32 s3, s2  }
0x8d: {  	s2 =	sadd.s32 s2, s17  }
0x8e: {  	[smem:$0x3FC4] =	sst s2  }
0x8f: {  	_ = 	snop  }
0x90: {  	s2 =	sld [smem:$0x3FC9]  }
0x91: {  	s18 =	sld [smem:$0x3FD0];
	(tm) =	ssettm $0x1  }
0x92: {  	s4 =	sld [smem:$0x3FFB];
	_ =	sdelay $0x3  }
0x93: {  	_ =	strace s4  }
0x94: {  	s4 =	sld [smem:$0x3FFC];
	_ =	sdelay $0x3  }
0x95: {  	_ =	strace s4  }
0x96: {  	s4 =	sld [smem:$0x3FFD];
	_ =	sdelay $0x3  }
0x97: {  	_ =	strace s4  }
0x98: {  	_ =	strace $0x8FFFFFFF  }
0x99: {  	s19 =	sld [smem:$0x3FDB];
	_ =	sdelay $0x1  }
0x9a: {  	s5 =	simm.s32 $_scs_section_size  }
0x9b: {  	s6 =	simm.s32 $_size__tile_overlayer_lowered;
	s7 =	simm.s32 $_tile_overlayer_lowered  }
0x9c: {  	s22 =	simm.s32 $0x1BFF;
	s21 =	sshll.u32 s7, $0x1;
	s4 =	sadd.s32 s5, s19  }
0x9d: {  	s8 =	simm.s32 $0x0;
	s20 =	sshll.u32 s6, $0x1;
	s6 =	sadd.s32 s21, s4  }
0x9e: {  	[timem:s8], [sflag:s22] =	dma.local [hbm:s6], s20  }
0x9f: {  	_ =	swait.ge [sflag:s22], s20  }
0xa0: {  	s5 =	ssub.s32 $0x0, s20;
	[sflag:s22] =	ssyncset.done $0x0  }
0xa1: {  	[sflag:s22] =	ssyncadd.s32 s5;
	_ =	sdelay $0x1  }
0xa2: {  	s23 =	simm.s32 $0x1B8B  }
0xa3: {  	_ =	swait.ge [sflag:s23], $0x1  }
0xa4: {  	[sflag:s23] =	ssyncset.done $0x0  }
0xa5: {  	s25 =	simm.s32 $0x1B8E;
	s24 =	sld [smem:$0x3FFE];
	[sflag:s23] =	ssyncadd.s32 $0xFFFFFFFF  }
0xa6: {  	s26 =	simm.s32 $execute0_lowered;
	[smem:$0x3FD2] =	sst s25  }
0xa7: {  	s6 =	sshll.u32 s26, $0x1;
	_ =	strace $0x80000046;
	[dreg:$0x1] =	wrdreg $0xFFFFFFFF  }
0xa8: {  	s28 =	simm.s32 $_size_execute0_lowered;
	s4 =	sadd.s32 s4, s6;
	[dreg:$0x0] =	wrdreg $0x0  }
0xa9: {  	s6 =	sshll.u32 s28, $0x1;
	[dreg:$0x2] =	wrdreg s4  }
0xaa: {  	[dreg:$0x3] =	wrdreg s6  }
0xab: {  	[dreg:$0x4] =	wrdreg $0xC0  }
0xac: {  	_ =	task [dreg:s8], $0x5FFFF  }
0xad: {  	[dreg:$0x1] =	wrdreg $0xFFFFFFFF  }
0xae: {  	[dreg:$0x0] =	wrdreg $0x60  }
0xaf: {  	[dreg:$0x2] =	wrdreg s2  }
0xb0: {  	[dreg:$0x3] =	wrdreg s24  }
0xb1: {  	[dreg:$0x4] =	wrdreg s18  }
0xb2: {  	[dreg:$0x5] =	wrdreg $0x9  }
0xb3: {  	_ =	task.clear_ibuf [dreg:s8], $0x6FFFF;
	_ =	strace $0x90000046  }
0xb4: {  	s29 =	simm.s32 $0x9;
	_ =	strace $0x80000048  }
0xb5: {  	_ =	swait.ge [sflag:s29], $0x1  }
0xb6: {  	[sflag:s29] =	ssyncadd.s32 $0xFFFFFFFF  }
0xb7: {  	_ =	strace $0x90000048  }
0xb8: {  	_ =	sfence  }
0xb9: {  	s30 =	sld [smem:$0x0];
	_ =	sdelay $0x2  }
0xba: {  	s31 =	sshll.u32 s1, $0xD;
	s1 =	sshrl.u32 s1, $0x2  }
0xbb: {  	s3 =	sand.u32 $0x4000, s31;
	s1 =	sadd.s32 s1, s30  }
0xbc: {  	s0 =	sor.u32 s3, s0;
	s1 =	sshll.u32 s1, $0x11  }
0xbd: {  	s0 =	sor.u32 s1, s0  }
0xbe: {  	s0 =	sadd.s32 $0x8F2B, s0  }
0xbf: {  	[sflag:s0] =	ssyncadd.remote.s32 $0x1  }
0xc0: {  	_ =	sfence.sel $0xFFFF  }
0xc1: {  	[dreg:$0x0] =	wrdreg $0xFFFFFFFF;
	(pc) =	sbr.abs _section_cstart, $3  }
0xc2: {  	[dreg:$0x1] =	wrdreg $0xFFFFFFFF  }
0xc3: {  	_ =	task.clear_ibuf [dreg:s8], $0x2FFFF;
	_ =	strace $0x9FFFFFFF  }
0xc4: {  	(tm) =	ssettm $0x7FFFFFFF  }
0xc5: {  	_ =	shalt  }
tec
execute0_lowered:
.L_overlay_start_1:
0x0: {  	(tag) =	ssettag $0x1  }
0x1: {  	s0 =	srdreg.scid;
	s2 =	stileid.u32  }
0x2: {  	s0 =	sand.u32 $0x1, s0;
	s1 =	sshll.u32 s2, $0x1  }
0x3: {  	s3 =	sor.u32 s0, s1  }
0x4: {  	p1 =	seq.s32 s0, $0x1;
	p0 =	seq.s32 s3, $0x0  }
0x5: {  	p0 =	por !p0, !p1  }
0x6: {  	s1 =	simm.s32 $0x1;
	p0 =	por !p0, !p0  }
0x7: {  	s4 =	rddreg [dreg:$0x0];
	s1 =	simm.s32 @!p0 $0x0  }
0x8: {  	s7 =	rddreg [dreg:$0x2];
	s3 =	sshll.u32 s3, $0xE;
	s2 =	ssub.s32 s2, s1  }
0x9: {  	s18 =	sadd.s32 s7, s3;
	s5 =	sshll.u32 s2, $0xA;
	s2 =	sshll.u32 s2, $0x7  }
0xa: {  	s1 =	rddreg [dreg:$0x1];
	s17 =	sand.u32 $0x380, s2;
	s2 =	simm.s32 $0x0  }
0xb: {  	s3 =	sadd.s32 $0x400, s18;
	[smem:$0x7FF] =	sst s2  }
0xc: {  	s19 =	sadd.s32 $0x800, s18;
	_ =	strace $0x80000047;
	[dreg:$0x5] =	wrdreg s3  }
0xd: {  	s20 =	sadd.s32 $0xC00, s18;
	[dreg:$0x6] =	wrdreg s19  }
0xe: {  	s21 =	sadd.s32 $0x1000, s18;
	[dreg:$0x7] =	wrdreg s20  }
0xf: {  	s22 =	sadd.s32 $0x1400, s18;
	[dreg:$0x8] =	wrdreg s21  }
0x10: {  	s23 =	sadd.s32 $0x1800, s18;
	[dreg:$0x9] =	wrdreg s22  }
0x11: {  	s24 =	sadd.s32 $0x1C00, s18;
	[dreg:$0xa] =	wrdreg s23  }
0x12: {  	s6 =	sshll.u32 s0, $0xC;
	s25 =	sadd.s32 $0x2000, s18;
	[dreg:$0xb] =	wrdreg s24  }
0x13: {  	s26 =	sadd.s32 $0x2400, s18;
	s5 =	sand.u32 $0xFFFFE000, s5;
	[dreg:$0xc] =	wrdreg s25  }
0x14: {  	s5 =	sor.u32 s6, s5;
	s6 =	sadd.s32 $0x2C00, s18;
	[dreg:$0xd] =	wrdreg s26  }
0x15: {  	s7 =	sadd.s32 $0x3000, s18;
	[dreg:$0xf] =	wrdreg s6  }
0x16: {  	s8 =	sadd.s32 $0x3400, s18;
	[dreg:$0x10] =	wrdreg s7  }
0x17: {  	s9 =	sadd.s32 $0x3800, s18;
	[dreg:$0x11] =	wrdreg s8  }
0x18: {  	[dreg:$0x12] =	wrdreg s9  }
0x19: {  	s10 =	sadd.s32 $0x3C00, s18;
	[smem:$0x7E3] =	sst s18  }
0x1a: {  	s11 =	simm.s32 $0x80;
	[dreg:$0x13] =	wrdreg s10  }
0x1b: {  	s12 =	simm.s32 $0x400;
	[dreg:$0x14] =	wrdreg s11  }
0x1c: {  	s13 =	simm.s32 $0x4A00;
	[dreg:$0x15] =	wrdreg s12  }
0x1d: {  	s14 =	simm.s32 $0x5200;
	[dreg:$0x16] =	wrdreg s13  }
0x1e: {  	s15 =	simm.s32 $0x5A00;
	[dreg:$0x17] =	wrdreg s14  }
0x1f: {  	s16 =	simm.s32 $0x6A00;
	[dreg:$0x18] =	wrdreg s15  }
0x20: {  	s5 =	sor.u32 s17, s5;
	[dreg:$0x19] =	wrdreg s16;
	s17 =	simm.s32 $0x7200  }
0x21: {  	s19 =	simm.s32 $0x8A00;
	[dreg:$0x1a] =	wrdreg s17  }
0x22: {  	s20 =	simm.s32 $0x9200;
	[dreg:$0x1c] =	wrdreg s19  }
0x23: {  	s21 =	simm.s32 $0x9A00;
	[dreg:$0x1d] =	wrdreg s20  }
0x24: {  	s22 =	simm.s32 $0xAA00;
	[dreg:$0x1e] =	wrdreg s21  }
0x25: {  	s23 =	simm.s32 $0xB200;
	[dreg:$0x1f] =	wrdreg s22  }
0x26: {  	s24 =	simm.s32 $0xBA00;
	[smem:$0x7E4] =	sst s23  }
0x27: {  	s25 =	simm.s32 $0xCA00;
	[smem:$0x7E5] =	sst s24  }
0x28: {  	s26 =	simm.s32 $0xD200;
	[smem:$0x7E6] =	sst s25  }
0x29: {  	s3 =	simm.s32 $0xDA00;
	[smem:$0x7E7] =	sst s26  }
0x2a: {  	s7 =	simm.s32 $0xF200;
	[smem:$0x7E8] =	sst s3  }
0x2b: {  	s8 =	simm.s32 $0xFA00;
	[smem:$0x7EA] =	sst s7  }
0x2c: {  	s29 =	simm.s32 $0x2;
	s9 =	simm.s32 $0x10A00;
	[smem:$0x7EB] =	sst s8  }
0x2d: {  	s30 =	simm.s32 $0xF;
	s10 =	simm.s32 $0x11200;
	[smem:$0x7EC] =	sst s9  }
0x2e: {  	s31 =	simm.s32 $0x1B;
	s11 =	simm.s32 $0x11A00;
	[smem:$0x7ED] =	sst s10  }
0x2f: {  	s28 =	simm.s32 $0x16200;
	s12 =	simm.s32 $0x12A00;
	[smem:$0x7EE] =	sst s11  }
0x30: {  	s0 =	ssub.s32 $0x2, s0;
	s13 =	simm.s32 $0x13200;
	[smem:$0x7EF] =	sst s12  }
0x31: {  	s6 =	sshrl.u32 s0, $0x1;
	s14 =	simm.s32 $0x13A00;
	[smem:$0x7F0] =	sst s13  }
0x32: {  	s15 =	simm.s32 $0x14A00;
	s16 =	simm.s32 $0x15200;
	[smem:$0x7F1] =	sst s14  }
0x33: {  	s5 =	sshrl.u32 s5, $0x3;
	s0 =	ssub.s32 s0, s6;
	[smem:$0x7F2] =	sst s15  }
0x34: {  	s8 =	simm.s32 $0x200;
	[smem:$0x7F3] =	sst s16;
	s17 =	simm.s32 $0x15A00  }
0x35: {  	s12 =	simm.s32 $0x2200;
	s19 =	simm.s32 $0x17200;
	[smem:$0x7F4] =	sst s17  }
0x36: {  	s20 =	simm.s32 $0x17A00;
	s21 =	simm.s32 $0x18A00;
	[smem:$0x7F6] =	sst s19  }
0x37: {  	s22 =	simm.s32 $0x19200;
	s23 =	simm.s32 $0x19A00;
	[smem:$0x7F7] =	sst s20  }
0x38: {  	s24 =	simm.s32 $0x1AA00;
	s25 =	simm.s32 $0x1B200;
	[smem:$0x7F8] =	sst s21  }
0x39: {  	s26 =	simm.s32 $0x1BA00;
	s13 =	simm.s32 $0x1200;
	[smem:$0x7F9] =	sst s22  }
0x3a: {  	s14 =	simm.s32 $0x1A00;
	s15 =	simm.s32 $0x2A00;
	[smem:$0x7FA] =	sst s23  }
0x3b: {  	s16 =	simm.s32 $0x3200;
	s7 =	simm.s32 $0x1A200;
	[smem:$0x7FB] =	sst s24  }
0x3c: {  	s4 =	sadd.s32 s4, s5;
	s5 =	simm.s32 $0xEA00;
	[smem:$0x7FC] =	sst s25  }
0x3d: {  	s6 =	smax.u32 s0, $0x1;
	[smem:$0x7FD] =	sst s26;
	s0 =	simm.s32 $0x1C  }
0x3e: {  	s17 =	simm.s32 $0x3A00;
	s19 =	simm.s32 $0x6200;
	s20 =	simm.s32 $0x8200  }
0x3f: {  	s21 =	simm.s32 $0xA200;
	s22 =	simm.s32 $0xC200;
	s23 =	simm.s32 $0xE200  }
0x40: {  	s24 =	simm.s32 $0x10200;
	s25 =	simm.s32 $0x12200;
	[dreg:$0x4] =	wrdreg s4  }
0x41: {  	s26 =	simm.s32 $0x14200;
	s4 =	sadd.s32 $0x2800, s18;
	[smem:$0x7E9] =	sst s5  }
0x42: {  	v2 =	vlaneseq.u32;
	s18 =	simm.s32 $0x7A00;
	s5 =	simm.s32 $0x1;
	[dreg:$0xe] =	wrdreg s4  }
0x43: {  	vm0 =	vmmov $0xffff;
	v1 =	vshrl.u32 v2, $0x3;
	[dreg:$0x1b] =	wrdreg s18;
	s4 =	sadd.s32 $0xC00, s1;
	s18 =	simm.s32 $0x16A00  }
0x44: {  	v0 =	vand.u32 $0x7, v2;
	v2 =	vor.u32 $0x8, v2;
	v1 =	vmul.u32 $0x8, v1;
	s1 =	simm.s32 $0x10;
	[smem:$0x7F5] =	sst s18;
	s18 =	simm.s32 $0x4200  }
.LBB2_1:
0x45: {  	s9 =	rddreg [dreg:$0x4]  }
0x46: {  	s10 =	rddreg [dreg:$0x14]  }
0x47: {  	s11 =	rddreg [dreg:$0x15]  }
0x48: {  	[tilespmem:s2], [sflag:$0x1D] =	stream.strided.gather [hbm4b:s9+s10], $0x200, s11, s10, $0x38;
	[tilespmem:$0x1C200] =	vst v63  }
0x49: {  	s11 =	simm.s32 $0x1D  }
0x4a: {  	_ =	swait.ge [sflag:s11], $0x200  }
0x4b: {  	[sflag:s11] =	ssyncset.done $0x0  }
0x4c: {  	[sflag:s11] =	ssyncadd.s32 $0xFFFFFE00  }
0x4d: {  	v3 =	vld [tilespmem:$0x0];
	_ =	sdelay $0x4  }
0x4e: {  	v4 =	vshll.u32 v3, $0x1  }
0x4f: {  	v3 =	vand.u32 $0x7, v3;
	v4 =	vand.u32 $0xFFFFFFF0, v4  }
0x50: {  	v3 =	vor.u32 v3, v4  }
0x51: {  	v4 =	vperm.xlane v3, v0;
	_ =	sdelay $0x1  }
0x52: {  	v3 =	vperm.xlane v3, v2;
	v4 =	vadd.s32 v1, v4;
	_ =	sdelay $0x1  }
0x53: {  	v3 =	vadd.s32 v1, v3;
	_ =	sdelay $0x2  }
0x54: {  	[tilespmem:s8], [sflag:$0x1] =	stream.indirect_vreg.gather [hbm4b:s4+s2], $0x80, v4, vm0, $0xb8;
	[tilespmem:$0x1C200] =	vst v63  }
0x55: {  	s11 =	simm.s32 $0xA00  }
0x56: {  	[tilespmem:s11], [sflag:$0x1] =	stream.indirect_vreg.gather [hbm4b:s4+s2], $0x80, v3, vm0, $0xb8;
	[tilespmem:$0x1C200] =	vst v63  }
0x57: {  	v3 =	vld [tilespmem:$0x10];
	_ =	sdelay $0x4  }
0x58: {  	v33 =	vshll.u32 v3, $0x1  }
0x59: {  	v3 =	vand.u32 $0x7, v3;
	v4 =	vand.u32 $0xFFFFFFF0, v33  }
0x5a: {  	v3 =	vor.u32 v3, v4  }
0x5b: {  	v4 =	vperm.xlane v3, v0;
	_ =	sdelay $0x1  }
0x5c: {  	v3 =	vperm.xlane v3, v2;
	v4 =	vadd.s32 v1, v4;
	_ =	sdelay $0x1  }
0x5d: {  	v3 =	vadd.s32 v1, v3;
	_ =	sdelay $0x2  }
0x5e: {  	[tilespmem:s13], [sflag:$0x1] =	stream.indirect_vreg.gather [hbm4b:s4+s2], $0x80, v4, vm0, $0xb8;
	[tilespmem:$0x1C200] =	vst v63  }
0x5f: {  	_ = 	snop  }
0x60: {  	[tilespmem:s14], [sflag:$0x1] =	stream.indirect_vreg.gather [hbm4b:s4+s2], $0x80, v3, vm0, $0xb8;
	[tilespmem:$0x1C200] =	vst v63  }
0x61: {  	v3 =	vld [tilespmem:$0x20];
	_ =	sdelay $0x4  }
0x62: {  	v34 =	vshll.u32 v3, $0x1  }
0x63: {  	v3 =	vand.u32 $0x7, v3;
	v4 =	vand.u32 $0xFFFFFFF0, v34  }
0x64: {  	v3 =	vor.u32 v3, v4  }
0x65: {  	v4 =	vperm.xlane v3, v0;
	_ =	sdelay $0x1  }
0x66: {  	v3 =	vperm.xlane v3, v2;
	v4 =	vadd.s32 v1, v4;
	_ =	sdelay $0x1  }
0x67: {  	v3 =	vadd.s32 v1, v3;
	_ =	sdelay $0x2  }
0x68: {  	[tilespmem:s12], [sflag:$0x2] =	stream.indirect_vreg.gather [hbm4b:s4+s2], $0x80, v4, vm0, $0xb8;
	[tilespmem:$0x1C200] =	vst v63  }
0x69: {  	_ = 	snop  }
0x6a: {  	[tilespmem:s15], [sflag:$0x2] =	stream.indirect_vreg.gather [hbm4b:s4+s2], $0x80, v3, vm0, $0xb8;
	[tilespmem:$0x1C200] =	vst v63  }
0x6b: {  	v3 =	vld [tilespmem:$0x30];
	_ =	sdelay $0x4  }
0x6c: {  	v35 =	vshll.u32 v3, $0x1  }
0x6d: {  	v3 =	vand.u32 $0x7, v3;
	v4 =	vand.u32 $0xFFFFFFF0, v35  }
0x6e: {  	v3 =	vor.u32 v3, v4  }
0x6f: {  	v4 =	vperm.xlane v3, v0;
	_ =	sdelay $0x1  }
0x70: {  	v3 =	vperm.xlane v3, v2;
	v4 =	vadd.s32 v1, v4;
	_ =	sdelay $0x1  }
0x71: {  	v3 =	vadd.s32 v1, v3;
	_ =	sdelay $0x2  }
0x72: {  	[tilespmem:s16], [sflag:$0x2] =	stream.indirect_vreg.gather [hbm4b:s4+s2], $0x80, v4, vm0, $0xb8;
	[tilespmem:$0x1C200] =	vst v63  }
0x73: {  	_ = 	snop  }
0x74: {  	[tilespmem:s17], [sflag:$0x2] =	stream.indirect_vreg.gather [hbm4b:s4+s2], $0x80, v3, vm0, $0xb8;
	[tilespmem:$0x1C200] =	vst v63  }
0x75: {  	v3 =	vld [tilespmem:$0x40];
	_ =	sdelay $0x4  }
0x76: {  	v36 =	vshll.u32 v3, $0x1  }
0x77: {  	v3 =	vand.u32 $0x7, v3;
	v4 =	vand.u32 $0xFFFFFFF0, v36  }
0x78: {  	v3 =	vor.u32 v3, v4  }
0x79: {  	v4 =	vperm.xlane v3, v0;
	_ =	sdelay $0x1  }
0x7a: {  	v3 =	vperm.xlane v3, v2;
	v4 =	vadd.s32 v1, v4;
	_ =	sdelay $0x1  }
0x7b: {  	v3 =	vadd.s32 v1, v3;
	_ =	sdelay $0x2  }
0x7c: {  	[tilespmem:s18], [sflag:$0x3] =	stream.indirect_vreg.gather [hbm4b:s4+s2], $0x80, v4, vm0, $0xb8;
	[tilespmem:$0x1C200] =	vst v63  }
0x7d: {  	s3 =	rddreg [dreg:$0x16]  }
0x7e: {  	[tilespmem:s3], [sflag:$0x3] =	stream.indirect_vreg.gather [hbm4b:s4+s2], $0x80, v3, vm0, $0xb8;
	[tilespmem:$0x1C200] =	vst v63  }
0x7f: {  	v3 =	vld [tilespmem:$0x50];
	_ =	sdelay $0x4  }
0x80: {  	v37 =	vshll.u32 v3, $0x1  }
0x81: {  	v3 =	vand.u32 $0x7, v3;
	v4 =	vand.u32 $0xFFFFFFF0, v37  }
0x82: {  	v3 =	vor.u32 v3, v4  }
0x83: {  	v4 =	vperm.xlane v3, v0;
	_ =	sdelay $0x1  }
0x84: {  	v3 =	vperm.xlane v3, v2;
	v4 =	vadd.s32 v1, v4;
	_ =	sdelay $0x1  }
0x85: {  	v3 =	vadd.s32 v1, v3;
	_ =	sdelay $0x1  }
0x86: {  	s10 =	rddreg [dreg:$0x17]  }
0x87: {  	[tilespmem:s10], [sflag:$0x3] =	stream.indirect_vreg.gather [hbm4b:s4+s2], $0x80, v4, vm0, $0xb8;
	[tilespmem:$0x1C200] =	vst v63  }
0x88: {  	s3 =	rddreg [dreg:$0x18]  }
0x89: {  	[tilespmem:s3], [sflag:$0x3] =	stream.indirect_vreg.gather [hbm4b:s4+s2], $0x80, v3, vm0, $0xb8;
	[tilespmem:$0x1C200] =	vst v63  }
0x8a: {  	v3 =	vld [tilespmem:$0x60];
	_ =	sdelay $0x4  }
0x8b: {  	v38 =	vshll.u32 v3, $0x1  }
0x8c: {  	v3 =	vand.u32 $0x7, v3;
	v4 =	vand.u32 $0xFFFFFFF0, v38  }
0x8d: {  	v3 =	vor.u32 v3, v4  }
0x8e: {  	v4 =	vperm.xlane v3, v0;
	_ =	sdelay $0x1  }
0x8f: {  	v3 =	vperm.xlane v3, v2;
	v4 =	vadd.s32 v1, v4;
	_ =	sdelay $0x1  }
0x90: {  	v3 =	vadd.s32 v1, v3;
	_ =	sdelay $0x2  }
0x91: {  	[tilespmem:s19], [sflag:$0x4] =	stream.indirect_vreg.gather [hbm4b:s4+s2], $0x80, v4, vm0, $0xb8;
	[tilespmem:$0x1C200] =	vst v63  }
0x92: {  	s3 =	rddreg [dreg:$0x19]  }
0x93: {  	[tilespmem:s3], [sflag:$0x4] =	stream.indirect_vreg.gather [hbm4b:s4+s2], $0x80, v3, vm0, $0xb8;
	[tilespmem:$0x1C200] =	vst v63  }
0x94: {  	v3 =	vld [tilespmem:$0x70];
	_ =	sdelay $0x4  }
0x95: {  	v39 =	vshll.u32 v3, $0x1  }
0x96: {  	v3 =	vand.u32 $0x7, v3;
	v4 =	vand.u32 $0xFFFFFFF0, v39  }
0x97: {  	v3 =	vor.u32 v3, v4  }
0x98: {  	v4 =	vperm.xlane v3, v0;
	_ =	sdelay $0x1  }
0x99: {  	v3 =	vperm.xlane v3, v2;
	v4 =	vadd.s32 v1, v4;
	_ =	sdelay $0x1  }
0x9a: {  	v3 =	vadd.s32 v1, v3;
	_ =	sdelay $0x1  }
0x9b: {  	s10 =	rddreg [dreg:$0x1a]  }
0x9c: {  	[tilespmem:s10], [sflag:$0x4] =	stream.indirect_vreg.gather [hbm4b:s4+s2], $0x80, v4, vm0, $0xb8;
	[tilespmem:$0x1C200] =	vst v63  }
0x9d: {  	s3 =	rddreg [dreg:$0x1b]  }
0x9e: {  	[tilespmem:s3], [sflag:$0x4] =	stream.indirect_vreg.gather [hbm4b:s4+s2], $0x80, v3, vm0, $0xb8;
	[tilespmem:$0x1C200] =	vst v63  }
0x9f: {  	v3 =	vld [tilespmem:$0x80];
	_ =	sdelay $0x4  }
0xa0: {  	v40 =	vshll.u32 v3, $0x1  }
0xa1: {  	v3 =	vand.u32 $0x7, v3;
	v4 =	vand.u32 $0xFFFFFFF0, v40  }
0xa2: {  	v3 =	vor.u32 v3, v4  }
0xa3: {  	v4 =	vperm.xlane v3, v0;
	_ =	sdelay $0x1  }
0xa4: {  	v3 =	vperm.xlane v3, v2;
	v4 =	vadd.s32 v1, v4;
	_ =	sdelay $0x1  }
0xa5: {  	v3 =	vadd.s32 v1, v3;
	_ =	sdelay $0x2  }
0xa6: {  	[tilespmem:s20], [sflag:$0x5] =	stream.indirect_vreg.gather [hbm4b:s4+s2], $0x80, v4, vm0, $0xb8;
	[tilespmem:$0x1C200] =	vst v63  }
0xa7: {  	s3 =	rddreg [dreg:$0x1c]  }
0xa8: {  	[tilespmem:s3], [sflag:$0x5] =	stream.indirect_vreg.gather [hbm4b:s4+s2], $0x80, v3, vm0, $0xb8;
	[tilespmem:$0x1C200] =	vst v63  }
0xa9: {  	v3 =	vld [tilespmem:$0x90];
	_ =	sdelay $0x4  }
0xaa: {  	v41 =	vshll.u32 v3, $0x1  }
0xab: {  	v3 =	vand.u32 $0x7, v3;
	v4 =	vand.u32 $0xFFFFFFF0, v41  }
0xac: {  	v3 =	vor.u32 v3, v4  }
0xad: {  	v4 =	vperm.xlane v3, v0;
	_ =	sdelay $0x1  }
0xae: {  	v3 =	vperm.xlane v3, v2;
	v4 =	vadd.s32 v1, v4;
	_ =	sdelay $0x1  }
0xaf: {  	v3 =	vadd.s32 v1, v3;
	_ =	sdelay $0x1  }
0xb0: {  	s10 =	rddreg [dreg:$0x1d]  }
0xb1: {  	[tilespmem:s10], [sflag:$0x5] =	stream.indirect_vreg.gather [hbm4b:s4+s2], $0x80, v4, vm0, $0xb8;
	[tilespmem:$0x1C200] =	vst v63  }
0xb2: {  	s3 =	rddreg [dreg:$0x1e]  }
0xb3: {  	[tilespmem:s3], [sflag:$0x5] =	stream.indirect_vreg.gather [hbm4b:s4+s2], $0x80, v3, vm0, $0xb8;
	[tilespmem:$0x1C200] =	vst v63  }
0xb4: {  	v3 =	vld [tilespmem:$0xA0];
	_ =	sdelay $0x4  }
0xb5: {  	v42 =	vshll.u32 v3, $0x1  }
0xb6: {  	v3 =	vand.u32 $0x7, v3;
	v4 =	vand.u32 $0xFFFFFFF0, v42  }
0xb7: {  	v3 =	vor.u32 v3, v4  }
0xb8: {  	v4 =	vperm.xlane v3, v0;
	_ =	sdelay $0x1  }
0xb9: {  	v3 =	vperm.xlane v3, v2;
	v4 =	vadd.s32 v1, v4;
	_ =	sdelay $0x1  }
0xba: {  	v3 =	vadd.s32 v1, v3;
	_ =	sdelay $0x2  }
0xbb: {  	[tilespmem:s21], [sflag:$0x6] =	stream.indirect_vreg.gather [hbm4b:s4+s2], $0x80, v4, vm0, $0xb8;
	[tilespmem:$0x1C200] =	vst v63  }
0xbc: {  	s3 =	rddreg [dreg:$0x1f]  }
0xbd: {  	[tilespmem:s3], [sflag:$0x6] =	stream.indirect_vreg.gather [hbm4b:s4+s2], $0x80, v3, vm0, $0xb8;
	[tilespmem:$0x1C200] =	vst v63  }
0xbe: {  	v3 =	vld [tilespmem:$0xB0];
	_ =	sdelay $0x4  }
0xbf: {  	v43 =	vshll.u32 v3, $0x1  }
0xc0: {  	v3 =	vand.u32 $0x7, v3;
	v4 =	vand.u32 $0xFFFFFFF0, v43  }
0xc1: {  	v3 =	vor.u32 v3, v4  }
0xc2: {  	v4 =	vperm.xlane v3, v0;
	_ =	sdelay $0x1  }
0xc3: {  	v3 =	vperm.xlane v3, v2;
	v4 =	vadd.s32 v1, v4;
	_ =	sdelay $0x1  }
0xc4: {  	s10 =	sld [smem:$0x7E4];
	v3 =	vadd.s32 v1, v3;
	_ =	sdelay $0x1  }
0xc5: {  	s3 =	sld [smem:$0x7E5]  }
0xc6: {  	[tilespmem:s10], [sflag:$0x6] =	stream.indirect_vreg.gather [hbm4b:s4+s2], $0x80, v4, vm0, $0xb8;
	[tilespmem:$0x1C200] =	vst v63  }
0xc7: {  	_ = 	snop  }
0xc8: {  	[tilespmem:s3], [sflag:$0x6] =	stream.indirect_vreg.gather [hbm4b:s4+s2], $0x80, v3, vm0, $0xb8;
	[tilespmem:$0x1C200] =	vst v63  }
0xc9: {  	v3 =	vld [tilespmem:$0xC0];
	_ =	sdelay $0x4  }
0xca: {  	v44 =	vshll.u32 v3, $0x1  }
0xcb: {  	v3 =	vand.u32 $0x7, v3;
	v4 =	vand.u32 $0xFFFFFFF0, v44  }
0xcc: {  	v3 =	vor.u32 v3, v4  }
0xcd: {  	v4 =	vperm.xlane v3, v0;
	_ =	sdelay $0x1  }
0xce: {  	v3 =	vperm.xlane v3, v2;
	v4 =	vadd.s32 v1, v4;
	_ =	sdelay $0x1  }
0xcf: {  	v3 =	vadd.s32 v1, v3;
	_ =	sdelay $0x1  }
0xd0: {  	s3 =	sld [smem:$0x7E6]  }
0xd1: {  	[tilespmem:s22], [sflag:$0x7] =	stream.indirect_vreg.gather [hbm4b:s4+s2], $0x80, v4, vm0, $0xb8;
	[tilespmem:$0x1C200] =	vst v63  }
0xd2: {  	_ = 	snop  }
0xd3: {  	[tilespmem:s3], [sflag:$0x7] =	stream.indirect_vreg.gather [hbm4b:s4+s2], $0x80, v3, vm0, $0xb8;
	[tilespmem:$0x1C200] =	vst v63  }
0xd4: {  	v3 =	vld [tilespmem:$0xD0];
	_ =	sdelay $0x4  }
0xd5: {  	v45 =	vshll.u32 v3, $0x1  }
0xd6: {  	v3 =	vand.u32 $0x7, v3;
	v4 =	vand.u32 $0xFFFFFFF0, v45  }
0xd7: {  	v3 =	vor.u32 v3, v4  }
0xd8: {  	v4 =	vperm.xlane v3, v0;
	_ =	sdelay $0x1  }
0xd9: {  	v3 =	vperm.xlane v3, v2;
	v4 =	vadd.s32 v1, v4;
	_ =	sdelay $0x1  }
0xda: {  	s10 =	sld [smem:$0x7E7];
	v3 =	vadd.s32 v1, v3;
	_ =	sdelay $0x1  }
0xdb: {  	s3 =	sld [smem:$0x7E8]  }
0xdc: {  	[tilespmem:s10], [sflag:$0x7] =	stream.indirect_vreg.gather [hbm4b:s4+s2], $0x80, v4, vm0, $0xb8;
	[tilespmem:$0x1C200] =	vst v63  }
0xdd: {  	_ = 	snop  }
0xde: {  	[tilespmem:s3], [sflag:$0x7] =	stream.indirect_vreg.gather [hbm4b:s4+s2], $0x80, v3, vm0, $0xb8;
	[tilespmem:$0x1C200] =	vst v63  }
0xdf: {  	v3 =	vld [tilespmem:$0xE0];
	_ =	sdelay $0x4  }
0xe0: {  	v46 =	vshll.u32 v3, $0x1  }
0xe1: {  	v3 =	vand.u32 $0x7, v3;
	v4 =	vand.u32 $0xFFFFFFF0, v46  }
0xe2: {  	v3 =	vor.u32 v3, v4  }
0xe3: {  	v4 =	vperm.xlane v3, v0;
	_ =	sdelay $0x1  }
0xe4: {  	v3 =	vperm.xlane v3, v2;
	v4 =	vadd.s32 v1, v4;
	_ =	sdelay $0x1  }
0xe5: {  	v3 =	vadd.s32 v1, v3;
	_ =	sdelay $0x1  }
0xe6: {  	s3 =	sld [smem:$0x7E9]  }
0xe7: {  	[tilespmem:s23], [sflag:$0x8] =	stream.indirect_vreg.gather [hbm4b:s4+s2], $0x80, v4, vm0, $0xb8;
	[tilespmem:$0x1C200] =	vst v63  }
0xe8: {  	_ = 	snop  }
0xe9: {  	[tilespmem:s3], [sflag:$0x8] =	stream.indirect_vreg.gather [hbm4b:s4+s2], $0x80, v3, vm0, $0xb8;
	[tilespmem:$0x1C200] =	vst v63  }
0xea: {  	v3 =	vld [tilespmem:$0xF0];
	_ =	sdelay $0x4  }
0xeb: {  	v47 =	vshll.u32 v3, $0x1  }
0xec: {  	v3 =	vand.u32 $0x7, v3;
	v4 =	vand.u32 $0xFFFFFFF0, v47  }
0xed: {  	v3 =	vor.u32 v3, v4  }
0xee: {  	v4 =	vperm.xlane v3, v0;
	_ =	sdelay $0x1  }
0xef: {  	v3 =	vperm.xlane v3, v2;
	v4 =	vadd.s32 v1, v4;
	_ =	sdelay $0x1  }
0xf0: {  	s10 =	sld [smem:$0x7EA];
	v3 =	vadd.s32 v1, v3;
	_ =	sdelay $0x1  }
0xf1: {  	s3 =	sld [smem:$0x7EB]  }
0xf2: {  	[tilespmem:s10], [sflag:$0x8] =	stream.indirect_vreg.gather [hbm4b:s4+s2], $0x80, v4, vm0, $0xb8;
	[tilespmem:$0x1C200] =	vst v63  }
0xf3: {  	_ = 	snop  }
0xf4: {  	[tilespmem:s3], [sflag:$0x8] =	stream.indirect_vreg.gather [hbm4b:s4+s2], $0x80, v3, vm0, $0xb8;
	[tilespmem:$0x1C200] =	vst v63  }
0xf5: {  	v3 =	vld [tilespmem:$0x100];
	_ =	sdelay $0x4  }
0xf6: {  	v48 =	vshll.u32 v3, $0x1  }
0xf7: {  	v3 =	vand.u32 $0x7, v3;
	v4 =	vand.u32 $0xFFFFFFF0, v48  }
0xf8: {  	v3 =	vor.u32 v3, v4  }
0xf9: {  	v4 =	vperm.xlane v3, v0;
	_ =	sdelay $0x1  }
0xfa: {  	v3 =	vperm.xlane v3, v2;
	v4 =	vadd.s32 v1, v4;
	_ =	sdelay $0x1  }
0xfb: {  	v3 =	vadd.s32 v1, v3;
	_ =	sdelay $0x1  }
0xfc: {  	s3 =	sld [smem:$0x7EC]  }
0xfd: {  	[tilespmem:s24], [sflag:$0x9] =	stream.indirect_vreg.gather [hbm4b:s4+s2], $0x80, v4, vm0, $0xb8;
	[tilespmem:$0x1C200] =	vst v63  }
0xfe: {  	_ = 	snop  }
0xff: {  	[tilespmem:s3], [sflag:$0x9] =	stream.indirect_vreg.gather [hbm4b:s4+s2], $0x80, v3, vm0, $0xb8;
	[tilespmem:$0x1C200] =	vst v63  }
0x100: {  	v3 =	vld [tilespmem:$0x110];
	_ =	sdelay $0x4  }
0x101: {  	v49 =	vshll.u32 v3, $0x1  }
0x102: {  	v3 =	vand.u32 $0x7, v3;
	v4 =	vand.u32 $0xFFFFFFF0, v49  }
0x103: {  	v3 =	vor.u32 v3, v4  }
0x104: {  	v4 =	vperm.xlane v3, v0;
	_ =	sdelay $0x1  }
0x105: {  	v3 =	vperm.xlane v3, v2;
	v4 =	vadd.s32 v1, v4;
	_ =	sdelay $0x1  }
0x106: {  	s10 =	sld [smem:$0x7ED];
	v3 =	vadd.s32 v1, v3;
	_ =	sdelay $0x1  }
0x107: {  	s3 =	sld [smem:$0x7EE]  }
0x108: {  	[tilespmem:s10], [sflag:$0x9] =	stream.indirect_vreg.gather [hbm4b:s4+s2], $0x80, v4, vm0, $0xb8;
	[tilespmem:$0x1C200] =	vst v63  }
0x109: {  	_ = 	snop  }
0x10a: {  	[tilespmem:s3], [sflag:$0x9] =	stream.indirect_vreg.gather [hbm4b:s4+s2], $0x80, v3, vm0, $0xb8;
	[tilespmem:$0x1C200] =	vst v63  }
0x10b: {  	v3 =	vld [tilespmem:$0x120];
	_ =	sdelay $0x4  }
0x10c: {  	v50 =	vshll.u32 v3, $0x1  }
0x10d: {  	v3 =	vand.u32 $0x7, v3;
	v4 =	vand.u32 $0xFFFFFFF0, v50  }
0x10e: {  	v3 =	vor.u32 v3, v4  }
0x10f: {  	v4 =	vperm.xlane v3, v0;
	_ =	sdelay $0x1  }
0x110: {  	v3 =	vperm.xlane v3, v2;
	v4 =	vadd.s32 v1, v4;
	_ =	sdelay $0x1  }
0x111: {  	v3 =	vadd.s32 v1, v3;
	_ =	sdelay $0x1  }
0x112: {  	s3 =	sld [smem:$0x7EF]  }
0x113: {  	[tilespmem:s25], [sflag:$0xA] =	stream.indirect_vreg.gather [hbm4b:s4+s2], $0x80, v4, vm0, $0xb8;
	[tilespmem:$0x1C200] =	vst v63  }
0x114: {  	_ = 	snop  }
0x115: {  	[tilespmem:s3], [sflag:$0xA] =	stream.indirect_vreg.gather [hbm4b:s4+s2], $0x80, v3, vm0, $0xb8;
	[tilespmem:$0x1C200] =	vst v63  }
0x116: {  	v3 =	vld [tilespmem:$0x130];
	_ =	sdelay $0x4  }
0x117: {  	v51 =	vshll.u32 v3, $0x1  }
0x118: {  	v3 =	vand.u32 $0x7, v3;
	v4 =	vand.u32 $0xFFFFFFF0, v51  }
0x119: {  	v3 =	vor.u32 v3, v4  }
0x11a: {  	v4 =	vperm.xlane v3, v0;
	_ =	sdelay $0x1  }
0x11b: {  	v3 =	vperm.xlane v3, v2;
	v4 =	vadd.s32 v1, v4;
	_ =	sdelay $0x1  }
0x11c: {  	s10 =	sld [smem:$0x7F0];
	v3 =	vadd.s32 v1, v3;
	_ =	sdelay $0x1  }
0x11d: {  	s3 =	sld [smem:$0x7F1]  }
0x11e: {  	[tilespmem:s10], [sflag:$0xA] =	stream.indirect_vreg.gather [hbm4b:s4+s2], $0x80, v4, vm0, $0xb8;
	[tilespmem:$0x1C200] =	vst v63  }
0x11f: {  	_ = 	snop  }
0x120: {  	[tilespmem:s3], [sflag:$0xA] =	stream.indirect_vreg.gather [hbm4b:s4+s2], $0x80, v3, vm0, $0xb8;
	[tilespmem:$0x1C200] =	vst v63  }
0x121: {  	v3 =	vld [tilespmem:$0x140];
	_ =	sdelay $0x4  }
0x122: {  	v52 =	vshll.u32 v3, $0x1  }
0x123: {  	v3 =	vand.u32 $0x7, v3;
	v4 =	vand.u32 $0xFFFFFFF0, v52  }
0x124: {  	v3 =	vor.u32 v3, v4  }
0x125: {  	v4 =	vperm.xlane v3, v0;
	_ =	sdelay $0x1  }
0x126: {  	v3 =	vperm.xlane v3, v2;
	v4 =	vadd.s32 v1, v4;
	_ =	sdelay $0x1  }
0x127: {  	v3 =	vadd.s32 v1, v3;
	_ =	sdelay $0x1  }
0x128: {  	s3 =	sld [smem:$0x7F2]  }
0x129: {  	[tilespmem:s26], [sflag:$0xB] =	stream.indirect_vreg.gather [hbm4b:s4+s2], $0x80, v4, vm0, $0xb8;
	[tilespmem:$0x1C200] =	vst v63  }
0x12a: {  	_ = 	snop  }
0x12b: {  	[tilespmem:s3], [sflag:$0xB] =	stream.indirect_vreg.gather [hbm4b:s4+s2], $0x80, v3, vm0, $0xb8;
	[tilespmem:$0x1C200] =	vst v63  }
0x12c: {  	v3 =	vld [tilespmem:$0x150];
	_ =	sdelay $0x4  }
0x12d: {  	v53 =	vshll.u32 v3, $0x1  }
0x12e: {  	v3 =	vand.u32 $0x7, v3;
	v4 =	vand.u32 $0xFFFFFFF0, v53  }
0x12f: {  	v3 =	vor.u32 v3, v4  }
0x130: {  	v4 =	vperm.xlane v3, v0;
	_ =	sdelay $0x1  }
0x131: {  	v3 =	vperm.xlane v3, v2;
	v4 =	vadd.s32 v1, v4;
	_ =	sdelay $0x1  }
0x132: {  	s10 =	sld [smem:$0x7F3];
	v3 =	vadd.s32 v1, v3;
	_ =	sdelay $0x1  }
0x133: {  	s3 =	sld [smem:$0x7F4]  }
0x134: {  	[tilespmem:s10], [sflag:$0xB] =	stream.indirect_vreg.gather [hbm4b:s4+s2], $0x80, v4, vm0, $0xb8;
	[tilespmem:$0x1C200] =	vst v63  }
0x135: {  	_ = 	snop  }
0x136: {  	[tilespmem:s3], [sflag:$0xB] =	stream.indirect_vreg.gather [hbm4b:s4+s2], $0x80, v3, vm0, $0xb8;
	[tilespmem:$0x1C200] =	vst v63  }
0x137: {  	v3 =	vld [tilespmem:$0x160];
	_ =	sdelay $0x4  }
0x138: {  	v54 =	vshll.u32 v3, $0x1  }
0x139: {  	v3 =	vand.u32 $0x7, v3;
	v4 =	vand.u32 $0xFFFFFFF0, v54  }
0x13a: {  	v3 =	vor.u32 v3, v4  }
0x13b: {  	v4 =	vperm.xlane v3, v0;
	_ =	sdelay $0x1  }
0x13c: {  	v3 =	vperm.xlane v3, v2;
	v4 =	vadd.s32 v1, v4;
	_ =	sdelay $0x1  }
0x13d: {  	v3 =	vadd.s32 v1, v3;
	_ =	sdelay $0x1  }
0x13e: {  	s3 =	sld [smem:$0x7F5]  }
0x13f: {  	[tilespmem:s28], [sflag:$0xC] =	stream.indirect_vreg.gather [hbm4b:s4+s2], $0x80, v4, vm0, $0xb8;
	[tilespmem:$0x1C200] =	vst v63  }
0x140: {  	_ = 	snop  }
0x141: {  	[tilespmem:s3], [sflag:$0xC] =	stream.indirect_vreg.gather [hbm4b:s4+s2], $0x80, v3, vm0, $0xb8;
	[tilespmem:$0x1C200] =	vst v63  }
0x142: {  	v3 =	vld [tilespmem:$0x170];
	_ =	sdelay $0x4  }
0x143: {  	v55 =	vshll.u32 v3, $0x1  }
0x144: {  	v3 =	vand.u32 $0x7, v3;
	v4 =	vand.u32 $0xFFFFFFF0, v55  }
0x145: {  	v3 =	vor.u32 v3, v4  }
0x146: {  	v4 =	vperm.xlane v3, v0;
	_ =	sdelay $0x1  }
0x147: {  	v3 =	vperm.xlane v3, v2;
	v4 =	vadd.s32 v1, v4;
	_ =	sdelay $0x1  }
0x148: {  	s10 =	sld [smem:$0x7F6];
	v3 =	vadd.s32 v1, v3;
	_ =	sdelay $0x1  }
0x149: {  	s3 =	sld [smem:$0x7F7]  }
0x14a: {  	[tilespmem:s10], [sflag:$0xC] =	stream.indirect_vreg.gather [hbm4b:s4+s2], $0x80, v4, vm0, $0xb8;
	[tilespmem:$0x1C200] =	vst v63  }
0x14b: {  	_ = 	snop  }
0x14c: {  	[tilespmem:s3], [sflag:$0xC] =	stream.indirect_vreg.gather [hbm4b:s4+s2], $0x80, v3, vm0, $0xb8;
	[tilespmem:$0x1C200] =	vst v63  }
0x14d: {  	v3 =	vld [tilespmem:$0x180];
	_ =	sdelay $0x4  }
0x14e: {  	v56 =	vshll.u32 v3, $0x1  }
0x14f: {  	v3 =	vand.u32 $0x7, v3;
	v4 =	vand.u32 $0xFFFFFFF0, v56  }
0x150: {  	v3 =	vor.u32 v3, v4  }
0x151: {  	v4 =	vperm.xlane v3, v0;
	_ =	sdelay $0x1  }
0x152: {  	v3 =	vperm.xlane v3, v2;
	v4 =	vadd.s32 v1, v4;
	_ =	sdelay $0x1  }
0x153: {  	v3 =	vadd.s32 v1, v3;
	_ =	sdelay $0x1  }
0x154: {  	s10 =	sld [smem:$0x7F8];
	s3 =	simm.s32 $0x18200  }
0x155: {  	[tilespmem:s3], [sflag:$0xD] =	stream.indirect_vreg.gather [hbm4b:s4+s2], $0x80, v4, vm0, $0xb8;
	[tilespmem:$0x1C200] =	vst v63  }
0x156: {  	_ = 	snop  }
0x157: {  	[tilespmem:s10], [sflag:$0xD] =	stream.indirect_vreg.gather [hbm4b:s4+s2], $0x80, v3, vm0, $0xb8;
	[tilespmem:$0x1C200] =	vst v63  }
0x158: {  	v3 =	vld [tilespmem:$0x190];
	_ =	sdelay $0x4  }
0x159: {  	v57 =	vshll.u32 v3, $0x1  }
0x15a: {  	v3 =	vand.u32 $0x7, v3;
	v4 =	vand.u32 $0xFFFFFFF0, v57  }
0x15b: {  	v3 =	vor.u32 v3, v4  }
0x15c: {  	v4 =	vperm.xlane v3, v0;
	_ =	sdelay $0x1  }
0x15d: {  	v3 =	vperm.xlane v3, v2;
	v4 =	vadd.s32 v1, v4;
	_ =	sdelay $0x1  }
0x15e: {  	s9 =	sld [smem:$0x7F9];
	v3 =	vadd.s32 v1, v3;
	_ =	sdelay $0x1  }
0x15f: {  	s10 =	sld [smem:$0x7FA]  }
0x160: {  	[tilespmem:s9], [sflag:$0xD] =	stream.indirect_vreg.gather [hbm4b:s4+s2], $0x80, v4, vm0, $0xb8;
	[tilespmem:$0x1C200] =	vst v63  }
0x161: {  	_ = 	snop  }
0x162: {  	[tilespmem:s10], [sflag:$0xD] =	stream.indirect_vreg.gather [hbm4b:s4+s2], $0x80, v3, vm0, $0xb8;
	[tilespmem:$0x1C200] =	vst v63  }
0x163: {  	_ =	swait.ge [sflag:s5], $0x2000  }
0x164: {  	s10 =	sld [smem:$0x7E3]  }
0x165: {  	[sflag:s5] =	ssyncset.done $0x0  }
0x166: {  	[sflag:s5] =	ssyncadd.s32 $0xFFFFE000  }
0x167: {  	[hbm4b:s10+s2] =	stream.linear.scatter [tilespmem:s8], [sflag:$0xF], $0x2000, $0x38;
	[tilespmem:$0x1C200] =	vst v63  }
0x168: {  	v3 =	vld [tilespmem:$0x1A0];
	_ =	sdelay $0x4  }
0x169: {  	v58 =	vshll.u32 v3, $0x1  }
0x16a: {  	v3 =	vand.u32 $0x7, v3;
	v4 =	vand.u32 $0xFFFFFFF0, v58  }
0x16b: {  	v3 =	vor.u32 v3, v4  }
0x16c: {  	v4 =	vperm.xlane v3, v0;
	_ =	sdelay $0x1  }
0x16d: {  	v3 =	vperm.xlane v3, v2;
	v4 =	vadd.s32 v1, v4;
	_ =	sdelay $0x1  }
0x16e: {  	v3 =	vadd.s32 v1, v3;
	_ =	sdelay $0x1  }
0x16f: {  	s10 =	sld [smem:$0x7FB]  }
0x170: {  	[tilespmem:s7], [sflag:$0xE] =	stream.indirect_vreg.gather [hbm4b:s4+s2], $0x80, v4, vm0, $0xb8;
	[tilespmem:$0x1C200] =	vst v63  }
0x171: {  	_ = 	snop  }
0x172: {  	[tilespmem:s10], [sflag:$0xE] =	stream.indirect_vreg.gather [hbm4b:s4+s2], $0x80, v3, vm0, $0xb8;
	[tilespmem:$0x1C200] =	vst v63  }
0x173: {  	v3 =	vld [tilespmem:$0x1B0];
	_ =	sdelay $0x4  }
0x174: {  	v59 =	vshll.u32 v3, $0x1  }
0x175: {  	v3 =	vand.u32 $0x7, v3;
	v4 =	vand.u32 $0xFFFFFFF0, v59  }
0x176: {  	v3 =	vor.u32 v3, v4  }
0x177: {  	v4 =	vperm.xlane v3, v0;
	_ =	sdelay $0x1  }
0x178: {  	v3 =	vperm.xlane v3, v2;
	v4 =	vadd.s32 v1, v4;
	_ =	sdelay $0x1  }
0x179: {  	s9 =	sld [smem:$0x7FC];
	v3 =	vadd.s32 v1, v3;
	_ =	sdelay $0x1  }
0x17a: {  	s10 =	sld [smem:$0x7FD]  }
0x17b: {  	[tilespmem:s9], [sflag:$0xE] =	stream.indirect_vreg.gather [hbm4b:s4+s2], $0x80, v4, vm0, $0xb8;
	[tilespmem:$0x1C200] =	vst v63  }
0x17c: {  	_ = 	snop  }
0x17d: {  	[tilespmem:s10], [sflag:$0xE] =	stream.indirect_vreg.gather [hbm4b:s4+s2], $0x80, v3, vm0, $0xb8;
	[tilespmem:$0x1C200] =	vst v63  }
0x17e: {  	_ =	swait.ge [sflag:s29], $0x2000  }
0x17f: {  	[sflag:s29] =	ssyncset.done $0x0  }
0x180: {  	s10 =	rddreg [dreg:$0x5];
	[sflag:s29] =	ssyncadd.s32 $0xFFFFE000  }
0x181: {  	[hbm4b:s10+s2] =	stream.linear.scatter [tilespmem:s12], [sflag:$0x10], $0x2000, $0x38;
	[tilespmem:$0x1C200] =	vst v63  }
0x182: {  	_ =	swait.ge [sflag:s30], $0x2000  }
0x183: {  	[sflag:s30] =	ssyncset.done $0x0  }
0x184: {  	[sflag:s30] =	ssyncadd.s32 $0xFFFFE000  }
0x185: {  	v3 =	vld [tilespmem:$0x1C0];
	_ =	sdelay $0x4  }
0x186: {  	v60 =	vshll.u32 v3, $0x1  }
0x187: {  	v3 =	vand.u32 $0x7, v3;
	v4 =	vand.u32 $0xFFFFFFF0, v60  }
0x188: {  	v3 =	vor.u32 v3, v4  }
0x189: {  	v4 =	vperm.xlane v3, v0;
	_ =	sdelay $0x1  }
0x18a: {  	v3 =	vperm.xlane v3, v2;
	v4 =	vadd.s32 v1, v4;
	_ =	sdelay $0x1  }
0x18b: {  	v3 =	vadd.s32 v1, v3;
	_ =	sdelay $0x2  }
0x18c: {  	[tilespmem:s8], [sflag:$0x1] =	stream.indirect_vreg.gather [hbm4b:s4+s2], $0x80, v4, vm0, $0xb8;
	[tilespmem:$0x1C200] =	vst v63  }
0x18d: {  	_ = 	snop  }
0x18e: {  	[tilespmem:s11], [sflag:$0x1] =	stream.indirect_vreg.gather [hbm4b:s4+s2], $0x80, v3, vm0, $0xb8;
	[tilespmem:$0x1C200] =	vst v63  }
0x18f: {  	v3 =	vld [tilespmem:$0x1D0];
	_ =	sdelay $0x4  }
0x190: {  	v61 =	vshll.u32 v3, $0x1  }
0x191: {  	v3 =	vand.u32 $0x7, v3;
	v4 =	vand.u32 $0xFFFFFFF0, v61  }
0x192: {  	v3 =	vor.u32 v3, v4  }
0x193: {  	v4 =	vperm.xlane v3, v0;
	_ =	sdelay $0x1  }
0x194: {  	v3 =	vperm.xlane v3, v2;
	v4 =	vadd.s32 v1, v4;
	_ =	sdelay $0x1  }
0x195: {  	v3 =	vadd.s32 v1, v3;
	_ =	sdelay $0x2  }
0x196: {  	[tilespmem:s13], [sflag:$0x1] =	stream.indirect_vreg.gather [hbm4b:s4+s2], $0x80, v4, vm0, $0xb8;
	[tilespmem:$0x1C200] =	vst v63  }
0x197: {  	s9 =	simm.s32 $0x3  }
0x198: {  	[tilespmem:s14], [sflag:$0x1] =	stream.indirect_vreg.gather [hbm4b:s4+s2], $0x80, v3, vm0, $0xb8;
	[tilespmem:$0x1C200] =	vst v63  }
0x199: {  	_ =	swait.ge [sflag:s9], $0x2000  }
0x19a: {  	[sflag:s9] =	ssyncset.done $0x0  }
0x19b: {  	s11 =	rddreg [dreg:$0x6];
	[sflag:s9] =	ssyncadd.s32 $0xFFFFE000  }
0x19c: {  	[hbm4b:s11+s2] =	stream.linear.scatter [tilespmem:s18], [sflag:$0x11], $0x2000, $0x38;
	[tilespmem:$0x1C200] =	vst v63  }
0x19d: {  	_ =	swait.ge [sflag:s1], $0x2000  }
0x19e: {  	[sflag:s1] =	ssyncset.done $0x0  }
0x19f: {  	[sflag:s1] =	ssyncadd.s32 $0xFFFFE000  }
0x1a0: {  	v3 =	vld [tilespmem:$0x1E0];
	_ =	sdelay $0x4  }
0x1a1: {  	v62 =	vshll.u32 v3, $0x1  }
0x1a2: {  	v3 =	vand.u32 $0x7, v3;
	v4 =	vand.u32 $0xFFFFFFF0, v62  }
0x1a3: {  	v3 =	vor.u32 v3, v4  }
0x1a4: {  	v4 =	vperm.xlane v3, v0;
	_ =	sdelay $0x1  }
0x1a5: {  	v3 =	vperm.xlane v3, v2;
	v4 =	vadd.s32 v1, v4;
	_ =	sdelay $0x1  }
0x1a6: {  	v3 =	vadd.s32 v1, v3;
	_ =	sdelay $0x2  }
0x1a7: {  	[tilespmem:s12], [sflag:$0x2] =	stream.indirect_vreg.gather [hbm4b:s4+s2], $0x80, v4, vm0, $0xb8;
	[tilespmem:$0x1C200] =	vst v63  }
0x1a8: {  	_ = 	snop  }
0x1a9: {  	[tilespmem:s15], [sflag:$0x2] =	stream.indirect_vreg.gather [hbm4b:s4+s2], $0x80, v3, vm0, $0xb8;
	[tilespmem:$0x1C200] =	vst v63  }
0x1aa: {  	v3 =	vld [tilespmem:$0x1F0];
	_ =	sdelay $0x4  }
0x1ab: {  	v63 =	vshll.u32 v3, $0x1  }
0x1ac: {  	v3 =	vand.u32 $0x7, v3;
	v4 =	vand.u32 $0xFFFFFFF0, v63  }
0x1ad: {  	v3 =	vor.u32 v3, v4  }
0x1ae: {  	v4 =	vperm.xlane v3, v0;
	_ =	sdelay $0x1  }
0x1af: {  	v3 =	vperm.xlane v3, v2;
	v4 =	vadd.s32 v1, v4;
	_ =	sdelay $0x1  }
0x1b0: {  	v3 =	vadd.s32 v1, v3;
	_ =	sdelay $0x2  }
0x1b1: {  	[tilespmem:s16], [sflag:$0x2] =	stream.indirect_vreg.gather [hbm4b:s4+s2], $0x80, v4, vm0, $0xb8;
	[tilespmem:$0x1C200] =	vst v63  }
0x1b2: {  	s9 =	simm.s32 $0x4  }
0x1b3: {  	[tilespmem:s17], [sflag:$0x2] =	stream.indirect_vreg.gather [hbm4b:s4+s2], $0x80, v3, vm0, $0xb8;
	[tilespmem:$0x1C200] =	vst v63  }
0x1b4: {  	_ =	swait.ge [sflag:s9], $0x2000  }
0x1b5: {  	[sflag:s9] =	ssyncset.done $0x0  }
0x1b6: {  	s11 =	rddreg [dreg:$0x7];
	[sflag:s9] =	ssyncadd.s32 $0xFFFFE000;
	s9 =	simm.s32 $0x5  }
0x1b7: {  	[hbm4b:s11+s2] =	stream.linear.scatter [tilespmem:s19], [sflag:$0x12], $0x2000, $0x38;
	[tilespmem:$0x1C200] =	vst v63  }
0x1b8: {  	_ =	swait.ge [sflag:s9], $0x2000  }
0x1b9: {  	[sflag:s9] =	ssyncset.done $0x0  }
0x1ba: {  	s11 =	rddreg [dreg:$0x8];
	[sflag:s9] =	ssyncadd.s32 $0xFFFFE000;
	s9 =	simm.s32 $0x6  }
0x1bb: {  	[hbm4b:s11+s2] =	stream.linear.scatter [tilespmem:s20], [sflag:$0x13], $0x2000, $0x38;
	[tilespmem:$0x1C200] =	vst v63  }
0x1bc: {  	_ =	swait.ge [sflag:s9], $0x2000  }
0x1bd: {  	[sflag:s9] =	ssyncset.done $0x0  }
0x1be: {  	s11 =	rddreg [dreg:$0x9];
	[sflag:s9] =	ssyncadd.s32 $0xFFFFE000;
	s9 =	simm.s32 $0x7  }
0x1bf: {  	[hbm4b:s11+s2] =	stream.linear.scatter [tilespmem:s21], [sflag:$0x14], $0x2000, $0x38;
	[tilespmem:$0x1C200] =	vst v63  }
0x1c0: {  	_ =	swait.ge [sflag:s9], $0x2000  }
0x1c1: {  	[sflag:s9] =	ssyncset.done $0x0  }
0x1c2: {  	s11 =	rddreg [dreg:$0xa];
	[sflag:s9] =	ssyncadd.s32 $0xFFFFE000;
	s9 =	simm.s32 $0x8  }
0x1c3: {  	[hbm4b:s11+s2] =	stream.linear.scatter [tilespmem:s22], [sflag:$0x15], $0x2000, $0x38;
	[tilespmem:$0x1C200] =	vst v63  }
0x1c4: {  	_ =	swait.ge [sflag:s9], $0x2000  }
0x1c5: {  	[sflag:s9] =	ssyncset.done $0x0  }
0x1c6: {  	s11 =	rddreg [dreg:$0xb];
	[sflag:s9] =	ssyncadd.s32 $0xFFFFE000;
	s9 =	simm.s32 $0x9  }
0x1c7: {  	[hbm4b:s11+s2] =	stream.linear.scatter [tilespmem:s23], [sflag:$0x16], $0x2000, $0x38;
	[tilespmem:$0x1C200] =	vst v63  }
0x1c8: {  	_ =	swait.ge [sflag:s9], $0x2000  }
0x1c9: {  	[sflag:s9] =	ssyncset.done $0x0  }
0x1ca: {  	s11 =	rddreg [dreg:$0xc];
	[sflag:s9] =	ssyncadd.s32 $0xFFFFE000;
	s9 =	simm.s32 $0xA  }
0x1cb: {  	[hbm4b:s11+s2] =	stream.linear.scatter [tilespmem:s24], [sflag:$0x17], $0x2000, $0x38;
	[tilespmem:$0x1C200] =	vst v63  }
0x1cc: {  	_ =	swait.ge [sflag:s9], $0x2000  }
0x1cd: {  	[sflag:s9] =	ssyncset.done $0x0  }
0x1ce: {  	s11 =	rddreg [dreg:$0xd];
	[sflag:s9] =	ssyncadd.s32 $0xFFFFE000;
	s9 =	simm.s32 $0xB  }
0x1cf: {  	[hbm4b:s11+s2] =	stream.linear.scatter [tilespmem:s25], [sflag:$0x18], $0x2000, $0x38;
	[tilespmem:$0x1C200] =	vst v63  }
0x1d0: {  	_ =	swait.ge [sflag:s9], $0x2000  }
0x1d1: {  	[sflag:s9] =	ssyncset.done $0x0  }
0x1d2: {  	s11 =	rddreg [dreg:$0xe];
	[sflag:s9] =	ssyncadd.s32 $0xFFFFE000;
	s9 =	simm.s32 $0xC  }
0x1d3: {  	[hbm4b:s11+s2] =	stream.linear.scatter [tilespmem:s26], [sflag:$0x19], $0x2000, $0x38;
	[tilespmem:$0x1C200] =	vst v63  }
0x1d4: {  	_ =	swait.ge [sflag:s9], $0x2000  }
0x1d5: {  	[sflag:s9] =	ssyncset.done $0x0  }
0x1d6: {  	s11 =	rddreg [dreg:$0xf];
	[sflag:s9] =	ssyncadd.s32 $0xFFFFE000;
	s9 =	simm.s32 $0xD  }
0x1d7: {  	[hbm4b:s11+s2] =	stream.linear.scatter [tilespmem:s28], [sflag:$0x1A], $0x2000, $0x38;
	[tilespmem:$0x1C200] =	vst v63  }
0x1d8: {  	_ =	swait.ge [sflag:s9], $0x2000  }
0x1d9: {  	[sflag:s9] =	ssyncset.done $0x0  }
0x1da: {  	s10 =	simm.s32 $0xE;
	s11 =	rddreg [dreg:$0x10];
	[sflag:s9] =	ssyncadd.s32 $0xFFFFE000  }
0x1db: {  	[hbm4b:s11+s2] =	stream.linear.scatter [tilespmem:s3], [sflag:$0x1B], $0x2000, $0x38;
	[tilespmem:$0x1C200] =	vst v63  }
0x1dc: {  	_ =	swait.ge [sflag:s10], $0x2000  }
0x1dd: {  	[sflag:s10] =	ssyncset.done $0x0  }
0x1de: {  	s11 =	rddreg [dreg:$0x11];
	[sflag:s10] =	ssyncadd.s32 $0xFFFFE000  }
0x1df: {  	[hbm4b:s11+s2] =	stream.linear.scatter [tilespmem:s7], [sflag:$0x1C], $0x2000, $0x38;
	[tilespmem:$0x1C200] =	vst v63  }
0x1e0: {  	_ =	swait.ge [sflag:s5], $0x2000  }
0x1e1: {  	[sflag:s5] =	ssyncset.done $0x0  }
0x1e2: {  	s3 =	rddreg [dreg:$0x12];
	[sflag:s5] =	ssyncadd.s32 $0xFFFFE000  }
0x1e3: {  	[hbm4b:s3+s2] =	stream.linear.scatter [tilespmem:s8], [sflag:$0xF], $0x2000, $0x38;
	[tilespmem:$0x1C200] =	vst v63  }
0x1e4: {  	_ =	swait.ge [sflag:s29], $0x2000  }
0x1e5: {  	[sflag:s29] =	ssyncset.done $0x0  }
0x1e6: {  	s10 =	rddreg [dreg:$0x13];
	[sflag:s29] =	ssyncadd.s32 $0xFFFFE000  }
0x1e7: {  	[hbm4b:s10+s2] =	stream.linear.scatter [tilespmem:s12], [sflag:$0x10], $0x2000, $0x38;
	[tilespmem:$0x1C200] =	vst v63  }
0x1e8: {  	_ =	swait.ge [sflag:s30], $0x2000  }
0x1e9: {  	[sflag:s30] =	ssyncset.done $0x0  }
0x1ea: {  	[sflag:s30] =	ssyncadd.s32 $0xFFFFE000  }
0x1eb: {  	_ =	swait.ge [sflag:s1], $0x2000  }
0x1ec: {  	[sflag:s1] =	ssyncset.done $0x0  }
0x1ed: {  	s11 =	simm.s32 $0x11;
	[sflag:s1] =	ssyncadd.s32 $0xFFFFE000  }
0x1ee: {  	_ =	swait.ge [sflag:s11], $0x2000  }
0x1ef: {  	[sflag:s11] =	ssyncset.done $0x0  }
0x1f0: {  	s9 =	simm.s32 $0x12;
	[sflag:s11] =	ssyncadd.s32 $0xFFFFE000  }
0x1f1: {  	_ =	swait.ge [sflag:s9], $0x2000  }
0x1f2: {  	[sflag:s9] =	ssyncset.done $0x0  }
0x1f3: {  	s10 =	simm.s32 $0x13;
	[sflag:s9] =	ssyncadd.s32 $0xFFFFE000  }
0x1f4: {  	_ =	swait.ge [sflag:s10], $0x2000  }
0x1f5: {  	[sflag:s10] =	ssyncset.done $0x0  }
0x1f6: {  	s11 =	simm.s32 $0x14;
	[sflag:s10] =	ssyncadd.s32 $0xFFFFE000  }
0x1f7: {  	_ =	swait.ge [sflag:s11], $0x2000  }
0x1f8: {  	[sflag:s11] =	ssyncset.done $0x0  }
0x1f9: {  	s9 =	simm.s32 $0x15;
	[sflag:s11] =	ssyncadd.s32 $0xFFFFE000  }
0x1fa: {  	_ =	swait.ge [sflag:s9], $0x2000  }
0x1fb: {  	[sflag:s9] =	ssyncset.done $0x0  }
0x1fc: {  	s10 =	simm.s32 $0x16;
	[sflag:s9] =	ssyncadd.s32 $0xFFFFE000  }
0x1fd: {  	_ =	swait.ge [sflag:s10], $0x2000  }
0x1fe: {  	[sflag:s10] =	ssyncset.done $0x0  }
0x1ff: {  	s11 =	simm.s32 $0x17;
	[sflag:s10] =	ssyncadd.s32 $0xFFFFE000  }
0x200: {  	_ =	swait.ge [sflag:s11], $0x2000  }
0x201: {  	[sflag:s11] =	ssyncset.done $0x0  }
0x202: {  	s9 =	simm.s32 $0x18;
	[sflag:s11] =	ssyncadd.s32 $0xFFFFE000  }
0x203: {  	_ =	swait.ge [sflag:s9], $0x2000  }
0x204: {  	[sflag:s9] =	ssyncset.done $0x0  }
0x205: {  	s10 =	simm.s32 $0x19;
	[sflag:s9] =	ssyncadd.s32 $0xFFFFE000  }
0x206: {  	_ =	swait.ge [sflag:s10], $0x2000  }
0x207: {  	[sflag:s10] =	ssyncset.done $0x0  }
0x208: {  	s11 =	simm.s32 $0x1A;
	[sflag:s10] =	ssyncadd.s32 $0xFFFFE000  }
0x209: {  	_ =	swait.ge [sflag:s11], $0x2000  }
0x20a: {  	[sflag:s11] =	ssyncset.done $0x0  }
0x20b: {  	[sflag:s11] =	ssyncadd.s32 $0xFFFFE000  }
0x20c: {  	p0 =	sne.s32 s6, $0x1;
	_ =	swait.ge [sflag:s31], $0x2000  }
.Ltmp0:
0x20d: {  	[sflag:s31] =	ssyncset.done $0x0;
	(pc) =	sbr.rel @p0 .LBB2_1-.Ltmp0, $4  }
0x20e: {  	[sflag:s31] =	ssyncadd.s32 $0xFFFFE000  }
0x20f: {  	_ =	swait.ge [sflag:s0], $0x2000  }
0x210: {  	[sflag:s0] =	ssyncset.done $0x0  }
0x211: {  	s6 =	sadd.s32 $0xFFFFFFFF, s6;
	[sflag:s0] =	ssyncadd.s32 $0xFFFFE000  }
0x212: {  	_ =	sfence.sel $0x180000  }
0x213: {  	[bflag:$0x0] =	sbarrier.arrive $0xFFFF  }
0x214: {  	_ =	strace $0x90000047  }
0x215: {  	s0 =	stileid.u32;
	[bflag:$0x2] =	sbarrier.arrive $0xFFFF  }
0x216: {  	p0 =	sne.s32 s0, $0x0;
	s0 =	rddreg [dreg:$0x3]  }
0x217: {  	s0 =	sadd.s32 @!p0 $0x100000, s0  }
0x218: {  	[sflag:s0] =	ssyncadd.tile.s32 @!p0 $0x1;
	_ =	shalt  }
.Lfunc_end2:
_tile_overlayer_lowered:
.L_overlay_start_2:
0x219: {  	(tag) =	ssettag $0x2  }
0x21a: {  	s0 =	rddreg [dreg:$0x0];
	s2 =	stileid.u32  }
0x21b: {  	s1 =	rddreg [dreg:$0x1];
	p0 =	sne.s32 s2, $0x0  }
0x21c: {  	s3 =	rddreg [dreg:$0x2];
	[bflag:$0x3] =	sbarrier.arrive $0xFFFF;
	s2 =	simm.s32 @!p0 $0x1C1D  }
0x21d: {  	[timem:s3], [sflag:s2] =	dma.local @!p0 [hbm:s0], s1  }
0x21e: {  	s0 =	simm.s32 @!p0 $0x1D  }
0x21f: {  	_ =	swait.ge @!p0 [sflag:s0], s1  }
0x220: {  	s1 =	ssub.s32 @!p0 $0x0, s1;
	[sflag:s0] =	ssyncset.done @!p0 $0x0  }
0x221: {  	[sflag:s0] =	ssyncadd.s32 @!p0 s1  }
0x222: {  	[bflag:$0x3] =	sbarrier.arrive $0xFFFF  }
0x223: {  	_ =	shalt  }

</sc_bundles>
